<compile_context>
chip_gen: v7x
topology: tpu7x:2x2x1
jax: 0.10.2.dev20260603
libtpu: 0.0.44.dev20260713+nightly
codegen_flags: <defaults>
</compile_context>

<pallas_src>
import functools

import jax
import jax.numpy as jnp
from jax import lax
from jax.experimental import pallas as pl
from jax.experimental.pallas import tpu as pltpu
from jax.experimental.pallas import tpu_sc as plsc

E = 320000
D = 128
NW = 32
EPW = E // NW
CH = 80
NCH = EPW // CH
G = CH // 16


def _body(z_hbm, src_hbm, dst_hbm, out_hbm,
          sidx, didx, srows, drows, obuf, sem_s, sem_d):
    c = lax.axis_index("c")
    s = lax.axis_index("s")
    wid = s * 2 + c
    base = wid * EPW

    def chunk_body(ci, carry):
        off = base + ci * CH
        pltpu.sync_copy(src_hbm.at[pl.ds(off, CH)], sidx)
        pltpu.sync_copy(dst_hbm.at[pl.ds(off, CH)], didx)
        cp_s = pltpu.async_copy(z_hbm.at[sidx], srows, sem_s)
        cp_d = pltpu.async_copy(z_hbm.at[didx], drows, sem_d)
        cp_s.wait()
        cp_d.wait()

        iota16 = lax.iota(jnp.int32, 16)

        def grp_body(g, carry2):
            acc = jnp.zeros((16,), jnp.float32)
            for jj in range(16):
                j = g * 16 + jj
                prods = [srows[j, pl.ds(k * 16, 16)] * drows[j, pl.ds(k * 16, 16)]
                         for k in range(8)]
                while len(prods) > 1:
                    prods = [prods[i] + prods[i + 1]
                             for i in range(0, len(prods), 2)]
                tot = jnp.sum(prods[0])
                acc = jnp.where(iota16 == jj, tot, acc)
            obuf[pl.ds(g * 16, 16)] = 1.0 / (1.0 + jnp.exp(-acc))
            return carry2

        lax.fori_loop(0, G, grp_body, 0)
        pltpu.sync_copy(obuf, out_hbm.at[pl.ds(off, CH)])
        return carry

    lax.fori_loop(0, NCH, chunk_body, 0)


_mesh = plsc.VectorSubcoreMesh(core_axis_name="c", subcore_axis_name="s")

_sc_call = functools.partial(
    pl.kernel,
    out_type=jax.ShapeDtypeStruct((E,), jnp.float32),
    mesh=_mesh,
    compiler_params=pltpu.CompilerParams(needs_layout_passes=False),
    scratch_types=[
        pltpu.VMEM((CH,), jnp.int32),
        pltpu.VMEM((CH,), jnp.int32),
        pltpu.VMEM((CH, D), jnp.float32),
        pltpu.VMEM((CH, D), jnp.float32),
        pltpu.VMEM((CH,), jnp.float32),
        pltpu.SemaphoreType.DMA,
        pltpu.SemaphoreType.DMA,
    ],
)(_body)


def kernel(z, edge_index):
    ei = edge_index.astype(jnp.int32)
    return _sc_call(z, ei[0], ei[1])

# --- scband reference (transcript-rebuilt; emitter-appended) ---
"""Pipeline reference for scband-inner-product-decoder-8495445312106 (READ-ONLY COPY).

The authoritative reference and input builder live on the scoring server;
editing this copy changes nothing except your own understanding.
"""

import jax, jax.numpy as jnp
import numpy as np


def setup_inputs(seed: int = 0) -> dict:
    key = jax.random.key(seed)
    k1, k2 = jax.random.split(key)
    z = jax.random.normal(k1, (10000, 128), dtype=jnp.float32)
    edge_index = jax.random.randint(k2, (2, 320000), 0, 10000, dtype=jnp.int64)
    return {"z": z, "edge_index": edge_index}


def reference(z, edge_index):
    # value = (z[edge_index[0]] * z[edge_index[1]]).sum(dim=1)
    src = jnp.take(z, edge_index[0], axis=0)
    dst = jnp.take(z, edge_index[1], axis=0)
    value = (src * dst).sum(axis=1)
    return jax.nn.sigmoid(value)

if __name__ == "__main__":
    import jax
    _d = setup_inputs()
    print(jax.jit(kernel)(*tuple(_d.values())))

</pallas_src>

<mosaic_0001>
#map = affine_map<(d0, d1) -> (0, 0)>
#map1 = affine_map<(d0, d1) -> (0)>
module attributes {stable_mosaic.version = 14 : i64} {
  func.func @_body(%arg0: i32, %arg1: i32, %arg2: memref<10000x128xf32, #tpu.memory_space<hbm>>, %arg3: memref<320000xi32, #tpu.memory_space<hbm>>, %arg4: memref<320000xi32, #tpu.memory_space<hbm>>, %arg5: memref<320000xf32, #tpu.memory_space<hbm>>, %arg6: memref<80xi32, #tpu.memory_space<vmem>>, %arg7: memref<80xi32, #tpu.memory_space<vmem>>, %arg8: memref<80x128xf32, #tpu.memory_space<vmem>>, %arg9: memref<80x128xf32, #tpu.memory_space<vmem>>, %arg10: memref<80xf32, #tpu.memory_space<vmem>>, %arg11: memref<!tpu.dma_semaphore, #tpu.memory_space<semaphore_mem>>, %arg12: memref<!tpu.dma_semaphore, #tpu.memory_space<semaphore_mem>>) attributes {dimension_semantics = [#tpu.dimension_semantics<core_parallel>, #tpu.dimension_semantics<subcore_parallel>], iteration_bounds = array<i64: 2, 16>, scalar_prefetch = 0 : i64, scratch_operands = 7 : i64, tpu.core_type = #tpu.core_type<sc_vector_subcore>, window_params = [{transform_indices = #map}, {transform_indices = #map1}, {transform_indices = #map1}, {transform_indices = #map1}]} {
    %mul3A = arith.constant 2 : i32
    %mul3A_0 = arith.muli %arg1, %mul3A : i32
    %add3A = arith.addi %mul3A_0, %arg0 : i32
    %mul3A_1 = arith.constant 10000 : i32
    %mul3A_2 = arith.muli %add3A, %mul3A_1 : i32
    %scan3A = arith.constant 0 : i32
    %scan3A_3 = arith.constant 0 : i32
    %scan3A_4 = arith.constant 125 : i32
    %scan3A_5 = arith.addi %scan3A_3, %scan3A_4 : i32
    %scan3A_6 = arith.constant 1 : i32
    scf.for %scan3A_8 = %scan3A_3 to %scan3A_5 step %scan3A_6  : i32 {
      %mul3A_9 = arith.constant 80 : i32
      %mul3A_10 = arith.muli %scan3A_8, %mul3A_9 : i32
      %add3A_11 = arith.addi %mul3A_2, %mul3A_10 : i32
      "tpu.region"() ({
        %run_scoped3A = tpu.sem_alloc : memref<!tpu.dma_semaphore, #tpu.memory_space<semaphore_mem>>
        %dma_start3A_28 = tpu.memref_slice %arg3[%add3A_11] : memref<320000xi32, #tpu.memory_space<hbm>> -> memref<80xi32, #tpu.memory_space<hbm>>
        %dma_start3A_29 = tpu.memref_slice %arg3[%add3A_11] : memref<320000xi32, #tpu.memory_space<hbm>> -> memref<80xi32, #tpu.memory_space<hbm>>
        tpu.enqueue_dma source(%dma_start3A_29 : memref<80xi32, #tpu.memory_space<hbm>>) target(%arg6 : memref<80xi32, #tpu.memory_space<vmem>>) target_semaphore(%run_scoped3A : memref<!tpu.dma_semaphore, #tpu.memory_space<semaphore_mem>>)
        %dma_wait3A_30 = tpu.memref_slice %arg3[%add3A_11] : memref<320000xi32, #tpu.memory_space<hbm>> -> memref<80xi32, #tpu.memory_space<hbm>>
        %dma_wait3A_31 = tpu.memref_slice %arg3[%add3A_11] : memref<320000xi32, #tpu.memory_space<hbm>> -> memref<80xi32, #tpu.memory_space<hbm>>
        tpu.wait_dma2 semaphore(%run_scoped3A : memref<!tpu.dma_semaphore, #tpu.memory_space<semaphore_mem>>) src(%dma_wait3A_31 : memref<80xi32, #tpu.memory_space<hbm>>) dst(%arg6 : memref<80xi32, #tpu.memory_space<vmem>>)
        tpu.yield
      }) : () -> ()
      "tpu.region"() ({
        %run_scoped3A = tpu.sem_alloc : memref<!tpu.dma_semaphore, #tpu.memory_space<semaphore_mem>>
        %dma_start3A_28 = tpu.memref_slice %arg4[%add3A_11] : memref<320000xi32, #tpu.memory_space<hbm>> -> memref<80xi32, #tpu.memory_space<hbm>>
        %dma_start3A_29 = tpu.memref_slice %arg4[%add3A_11] : memref<320000xi32, #tpu.memory_space<hbm>> -> memref<80xi32, #tpu.memory_space<hbm>>
        tpu.enqueue_dma source(%dma_start3A_29 : memref<80xi32, #tpu.memory_space<hbm>>) target(%arg7 : memref<80xi32, #tpu.memory_space<vmem>>) target_semaphore(%run_scoped3A : memref<!tpu.dma_semaphore, #tpu.memory_space<semaphore_mem>>)
        %dma_wait3A_30 = tpu.memref_slice %arg4[%add3A_11] : memref<320000xi32, #tpu.memory_space<hbm>> -> memref<80xi32, #tpu.memory_space<hbm>>
        %dma_wait3A_31 = tpu.memref_slice %arg4[%add3A_11] : memref<320000xi32, #tpu.memory_space<hbm>> -> memref<80xi32, #tpu.memory_space<hbm>>
        tpu.wait_dma2 semaphore(%run_scoped3A : memref<!tpu.dma_semaphore, #tpu.memory_space<semaphore_mem>>) src(%dma_wait3A_31 : memref<80xi32, #tpu.memory_space<hbm>>) dst(%arg7 : memref<80xi32, #tpu.memory_space<vmem>>)
        tpu.yield
      }) : () -> ()
      %dma_start3A = arith.constant 0 : i32
      %dma_start3A_12 = arith.constant 0 : i32
      %dma_start3A_13 = tpu.memref_slice %arg2[%dma_start3A, %dma_start3A_12] : memref<10000x128xf32, #tpu.memory_space<hbm>> -> memref<10000x128xf32, #tpu.memory_space<hbm>>
      tpu.enqueue_indirect_dma source(%dma_start3A_13 : memref<10000x128xf32, #tpu.memory_space<hbm>>) target(%arg8 : memref<80x128xf32, #tpu.memory_space<vmem>>) offsets(%arg6 : memref<80xi32, #tpu.memory_space<vmem>>) semaphore(%arg11 : memref<!tpu.dma_semaphore, #tpu.memory_space<semaphore_mem>>)
      %dma_start3A_14 = arith.constant 0 : i32
      %dma_start3A_15 = arith.constant 0 : i32
      %dma_start3A_16 = tpu.memref_slice %arg2[%dma_start3A_14, %dma_start3A_15] : memref<10000x128xf32, #tpu.memory_space<hbm>> -> memref<10000x128xf32, #tpu.memory_space<hbm>>
      tpu.enqueue_indirect_dma source(%dma_start3A_16 : memref<10000x128xf32, #tpu.memory_space<hbm>>) target(%arg9 : memref<80x128xf32, #tpu.memory_space<vmem>>) offsets(%arg7 : memref<80xi32, #tpu.memory_space<vmem>>) semaphore(%arg12 : memref<!tpu.dma_semaphore, #tpu.memory_space<semaphore_mem>>)
      %dma_wait3A = arith.constant 0 : i32
      %dma_wait3A_17 = arith.constant 0 : i32
      %dma_wait3A_18 = tpu.memref_slice %arg2[%dma_wait3A, %dma_wait3A_17] : memref<10000x128xf32, #tpu.memory_space<hbm>> -> memref<10000x128xf32, #tpu.memory_space<hbm>>
      tpu.wait_indirect_dma semaphore(%arg11 : memref<!tpu.dma_semaphore, #tpu.memory_space<semaphore_mem>>) src(%dma_wait3A_18 : memref<10000x128xf32, #tpu.memory_space<hbm>>) dst(%arg8 : memref<80x128xf32, #tpu.memory_space<vmem>>)
      %dma_wait3A_19 = arith.constant 0 : i32
      %dma_wait3A_20 = arith.constant 0 : i32
      %dma_wait3A_21 = tpu.memref_slice %arg2[%dma_wait3A_19, %dma_wait3A_20] : memref<10000x128xf32, #tpu.memory_space<hbm>> -> memref<10000x128xf32, #tpu.memory_space<hbm>>
      tpu.wait_indirect_dma semaphore(%arg12 : memref<!tpu.dma_semaphore, #tpu.memory_space<semaphore_mem>>) src(%dma_wait3A_21 : memref<10000x128xf32, #tpu.memory_space<hbm>>) dst(%arg9 : memref<80x128xf32, #tpu.memory_space<vmem>>)
      %iota3A = tpu.iota {dimensions = array<i32: 0>} : vector<16xi32>
      %scan3A_22 = arith.constant 0 : i32
      %scan3A_23 = arith.constant 0 : i32
      %scan3A_24 = arith.constant 5 : i32
      %scan3A_25 = arith.addi %scan3A_23, %scan3A_24 : i32
      %scan3A_26 = arith.constant 1 : i32
      scf.for %scan3A_28 = %scan3A_23 to %scan3A_25 step %scan3A_26  : i32 {
        %broadcast_in_dim3A = arith.constant 0.000000e+00 : f32
        %broadcast_in_dim3A_29 = vector.broadcast %broadcast_in_dim3A : f32 to vector<16xf32>
        %mul3A_30 = arith.constant 16 : i32
        %mul3A_31 = arith.muli %scan3A_28, %mul3A_30 : i32
        %add3A_32 = arith.constant 0 : i32
        %add3A_33 = arith.addi %mul3A_31, %add3A_32 : i32
        %get3A = arith.index_cast %add3A_33 : i32 to index
        %get3A_34 = arith.constant 0 : index
        %get3A_35 = tpu.vector_load %arg8[%get3A, %get3A_34] {strides = array<i32>} : memref<80x128xf32, #tpu.memory_space<vmem>>, vector<16xf32>,
        %get3A_36 = arith.index_cast %add3A_33 : i32 to index
        %get3A_37 = arith.constant 0 : index
        %get3A_38 = tpu.vector_load %arg9[%get3A_36, %get3A_37] {strides = array<i32>} : memref<80x128xf32, #tpu.memory_space<vmem>>, vector<16xf32>,
        %mul3A_39 = arith.mulf %get3A_35, %get3A_38 : vector<16xf32>
        %get3A_40 = arith.index_cast %add3A_33 : i32 to index
        %get3A_41 = arith.constant 16 : index
        %get3A_42 = tpu.vector_load %arg8[%get3A_40, %get3A_41] {strides = array<i32>} : memref<80x128xf32, #tpu.memory_space<vmem>>, vector<16xf32>,
        %get3A_43 = arith.index_cast %add3A_33 : i32 to index
        %get3A_44 = arith.constant 16 : index
        %get3A_45 = tpu.vector_load %arg9[%get3A_43, %get3A_44] {strides = array<i32>} : memref<80x128xf32, #tpu.memory_space<vmem>>, vector<16xf32>,
        %mul3A_46 = arith.mulf %get3A_42, %get3A_45 : vector<16xf32>
        %get3A_47 = arith.index_cast %add3A_33 : i32 to index
        %get3A_48 = arith.constant 32 : index
        %get3A_49 = tpu.vector_load %arg8[%get3A_47, %get3A_48] {strides = array<i32>} : memref<80x128xf32, #tpu.memory_space<vmem>>, vector<16xf32>,
        %get3A_50 = arith.index_cast %add3A_33 : i32 to index
        %get3A_51 = arith.constant 32 : index
        %get3A_52 = tpu.vector_load %arg9[%get3A_50, %get3A_51] {strides = array<i32>} : memref<80x128xf32, #tpu.memory_space<vmem>>, vector<16xf32>,
        %mul3A_53 = arith.mulf %get3A_49, %get3A_52 : vector<16xf32>
        %get3A_54 = arith.index_cast %add3A_33 : i32 to index
        %get3A_55 = arith.constant 48 : index
        %get3A_56 = tpu.vector_load %arg8[%get3A_54, %get3A_55] {strides = array<i32>} : memref<80x128xf32, #tpu.memory_space<vmem>>, vector<16xf32>,
        %get3A_57 = arith.index_cast %add3A_33 : i32 to index
        %get3A_58 = arith.constant 48 : index
        %get3A_59 = tpu.vector_load %arg9[%get3A_57, %get3A_58] {strides = array<i32>} : memref<80x128xf32, #tpu.memory_space<vmem>>, vector<16xf32>,
        %mul3A_60 = arith.mulf %get3A_56, %get3A_59 : vector<16xf32>
        %get3A_61 = arith.index_cast %add3A_33 : i32 to index
        %get3A_62 = arith.constant 64 : index
        %get3A_63 = tpu.vector_load %arg8[%get3A_61, %get3A_62] {strides = array<i32>} : memref<80x128xf32, #tpu.memory_space<vmem>>, vector<16xf32>,
        %get3A_64 = arith.index_cast %add3A_33 : i32 to index
        %get3A_65 = arith.constant 64 : index
        %get3A_66 = tpu.vector_load %arg9[%get3A_64, %get3A_65] {strides = array<i32>} : memref<80x128xf32, #tpu.memory_space<vmem>>, vector<16xf32>,
        %mul3A_67 = arith.mulf %get3A_63, %get3A_66 : vector<16xf32>
        %get3A_68 = arith.index_cast %add3A_33 : i32 to index
        %get3A_69 = arith.constant 80 : index
        %get3A_70 = tpu.vector_load %arg8[%get3A_68, %get3A_69] {strides = array<i32>} : memref<80x128xf32, #tpu.memory_space<vmem>>, vector<16xf32>,
        %get3A_71 = arith.index_cast %add3A_33 : i32 to index
        %get3A_72 = arith.constant 80 : index
        %get3A_73 = tpu.vector_load %arg9[%get3A_71, %get3A_72] {strides = array<i32>} : memref<80x128xf32, #tpu.memory_space<vmem>>, vector<16xf32>,
        %mul3A_74 = arith.mulf %get3A_70, %get3A_73 : vector<16xf32>
        %get3A_75 = arith.index_cast %add3A_33 : i32 to index
        %get3A_76 = arith.constant 96 : index
        %get3A_77 = tpu.vector_load %arg8[%get3A_75, %get3A_76] {strides = array<i32>} : memref<80x128xf32, #tpu.memory_space<vmem>>, vector<16xf32>,
        %get3A_78 = arith.index_cast %add3A_33 : i32 to index
        %get3A_79 = arith.constant 96 : index
        %get3A_80 = tpu.vector_load %arg9[%get3A_78, %get3A_79] {strides = array<i32>} : memref<80x128xf32, #tpu.memory_space<vmem>>, vector<16xf32>,
        %mul3A_81 = arith.mulf %get3A_77, %get3A_80 : vector<16xf32>
        %get3A_82 = arith.index_cast %add3A_33 : i32 to index
        %get3A_83 = arith.constant 112 : index
        %get3A_84 = tpu.vector_load %arg8[%get3A_82, %get3A_83] {strides = array<i32>} : memref<80x128xf32, #tpu.memory_space<vmem>>, vector<16xf32>,
        %get3A_85 = arith.index_cast %add3A_33 : i32 to index
        %get3A_86 = arith.constant 112 : index
        %get3A_87 = tpu.vector_load %arg9[%get3A_85, %get3A_86] {strides = array<i32>} : memref<80x128xf32, #tpu.memory_space<vmem>>, vector<16xf32>,
        %mul3A_88 = arith.mulf %get3A_84, %get3A_87 : vector<16xf32>
        %add3A_89 = arith.addf %mul3A_39, %mul3A_46 : vector<16xf32>
        %add3A_90 = arith.addf %mul3A_53, %mul3A_60 : vector<16xf32>
        %add3A_91 = arith.addf %mul3A_67, %mul3A_74 : vector<16xf32>
        %add3A_92 = arith.addf %mul3A_81, %mul3A_88 : vector<16xf32>
        %add3A_93 = arith.addf %add3A_89, %add3A_90 : vector<16xf32>
        %add3A_94 = arith.addf %add3A_91, %add3A_92 : vector<16xf32>
        %add3A_95 = arith.addf %add3A_93, %add3A_94 : vector<16xf32>
        %reduce_sum3A = arith.constant true
        %reduce_sum3A_96 = vector.broadcast %reduce_sum3A : i1 to vector<16xi1>
        %reduce_sum3A_97 = tpu.scan <sum>, %add3A_95 masked %reduce_sum3A_96 : vector<16xf32>, vector<16xi1> -> vector<16xf32>
        %reduce_sum3A_98 = vector.extract %reduce_sum3A_97[15] : f32 from vector<16xf32>
        %eq3A = arith.constant 0 : i32
        %eq3A_99 = vector.broadcast %eq3A : i32 to vector<16xi32>
        %eq3A_100 = arith.cmpi eq, %iota3A, %eq3A_99 : vector<16xi32>
        %broadcast_in_dim3A_101 = vector.broadcast %reduce_sum3A_98 : f32 to vector<16xf32>
        %select_n3A = arith.select %eq3A_100, %broadcast_in_dim3A_101, %broadcast_in_dim3A_29 : vector<16xi1>, vector<16xf32>
        %mul3A_102 = arith.constant 16 : i32
        %mul3A_103 = arith.muli %scan3A_28, %mul3A_102 : i32
        %add3A_104 = arith.constant 1 : i32
        %add3A_105 = arith.addi %mul3A_103, %add3A_104 : i32
        %get3A_106 = arith.index_cast %add3A_105 : i32 to index
        %get3A_107 = arith.constant 0 : index
        %get3A_108 = tpu.vector_load %arg8[%get3A_106, %get3A_107] {strides = array<i32>} : memref<80x128xf32, #tpu.memory_space<vmem>>, vector<16xf32>,
        %get3A_109 = arith.index_cast %add3A_105 : i32 to index
        %get3A_110 = arith.constant 0 : index
        %get3A_111 = tpu.vector_load %arg9[%get3A_109, %get3A_110] {strides = array<i32>} : memref<80x128xf32, #tpu.memory_space<vmem>>, vector<16xf32>,
        %mul3A_112 = arith.mulf %get3A_108, %get3A_111 : vector<16xf32>
        %get3A_113 = arith.index_cast %add3A_105 : i32 to index
        %get3A_114 = arith.constant 16 : index
        %get3A_115 = tpu.vector_load %arg8[%get3A_113, %get3A_114] {strides = array<i32>} : memref<80x128xf32, #tpu.memory_space<vmem>>, vector<16xf32>,
        %get3A_116 = arith.index_cast %add3A_105 : i32 to index
        %get3A_117 = arith.constant 16 : index
        %get3A_118 = tpu.vector_load %arg9[%get3A_116, %get3A_117] {strides = array<i32>} : memref<80x128xf32, #tpu.memory_space<vmem>>, vector<16xf32>,
        %mul3A_119 = arith.mulf %get3A_115, %get3A_118 : vector<16xf32>
        %get3A_120 = arith.index_cast %add3A_105 : i32 to index
        %get3A_121 = arith.constant 32 : index
        %get3A_122 = tpu.vector_load %arg8[%get3A_120, %get3A_121] {strides = array<i32>} : memref<80x128xf32, #tpu.memory_space<vmem>>, vector<16xf32>,
        %get3A_123 = arith.index_cast %add3A_105 : i32 to index
        %get3A_124 = arith.constant 32 : index
        %get3A_125 = tpu.vector_load %arg9[%get3A_123, %get3A_124] {strides = array<i32>} : memref<80x128xf32, #tpu.memory_space<vmem>>, vector<16xf32>,
        %mul3A_126 = arith.mulf %get3A_122, %get3A_125 : vector<16xf32>
        %get3A_127 = arith.index_cast %add3A_105 : i32 to index
        %get3A_128 = arith.constant 48 : index
        %get3A_129 = tpu.vector_load %arg8[%get3A_127, %get3A_128] {strides = array<i32>} : memref<80x128xf32, #tpu.memory_space<vmem>>, vector<16xf32>,
        %get3A_130 = arith.index_cast %add3A_105 : i32 to index
        %get3A_131 = arith.constant 48 : index
        %get3A_132 = tpu.vector_load %arg9[%get3A_130, %get3A_131] {strides = array<i32>} : memref<80x128xf32, #tpu.memory_space<vmem>>, vector<16xf32>,
        %mul3A_133 = arith.mulf %get3A_129, %get3A_132 : vector<16xf32>
        %get3A_134 = arith.index_cast %add3A_105 : i32 to index
        %get3A_135 = arith.constant 64 : index
        %get3A_136 = tpu.vector_load %arg8[%get3A_134, %get3A_135] {strides = array<i32>} : memref<80x128xf32, #tpu.memory_space<vmem>>, vector<16xf32>,
        %get3A_137 = arith.index_cast %add3A_105 : i32 to index
        %get3A_138 = arith.constant 64 : index
        %get3A_139 = tpu.vector_load %arg9[%get3A_137, %get3A_138] {strides = array<i32>} : memref<80x128xf32, #tpu.memory_space<vmem>>, vector<16xf32>,
        %mul3A_140 = arith.mulf %get3A_136, %get3A_139 : vector<16xf32>
        %get3A_141 = arith.index_cast %add3A_105 : i32 to index
        %get3A_142 = arith.constant 80 : index
        %get3A_143 = tpu.vector_load %arg8[%get3A_141, %get3A_142] {strides = array<i32>} : memref<80x128xf32, #tpu.memory_space<vmem>>, vector<16xf32>,
        %get3A_144 = arith.index_cast %add3A_105 : i32 to index
        %get3A_145 = arith.constant 80 : index
        %get3A_146 = tpu.vector_load %arg9[%get3A_144, %get3A_145] {strides = array<i32>} : memref<80x128xf32, #tpu.memory_space<vmem>>, vector<16xf32>,
        %mul3A_147 = arith.mulf %get3A_143, %get3A_146 : vector<16xf32>
        %get3A_148 = arith.index_cast %add3A_105 : i32 to index
        %get3A_149 = arith.constant 96 : index
        %get3A_150 = tpu.vector_load %arg8[%get3A_148, %get3A_149] {strides = array<i32>} : memref<80x128xf32, #tpu.memory_space<vmem>>, vector<16xf32>,
        %get3A_151 = arith.index_cast %add3A_105 : i32 to index
        %get3A_152 = arith.constant 96 : index
        %get3A_153 = tpu.vector_load %arg9[%get3A_151, %get3A_152] {strides = array<i32>} : memref<80x128xf32, #tpu.memory_space<vmem>>, vector<16xf32>,
        %mul3A_154 = arith.mulf %get3A_150, %get3A_153 : vector<16xf32>
        %get3A_155 = arith.index_cast %add3A_105 : i32 to index
        %get3A_156 = arith.constant 112 : index
        %get3A_157 = tpu.vector_load %arg8[%get3A_155, %get3A_156] {strides = array<i32>} : memref<80x128xf32, #tpu.memory_space<vmem>>, vector<16xf32>,
        %get3A_158 = arith.index_cast %add3A_105 : i32 to index
        %get3A_159 = arith.constant 112 : index
        %get3A_160 = tpu.vector_load %arg9[%get3A_158, %get3A_159] {strides = array<i32>} : memref<80x128xf32, #tpu.memory_space<vmem>>, vector<16xf32>,
        %mul3A_161 = arith.mulf %get3A_157, %get3A_160 : vector<16xf32>
        %add3A_162 = arith.addf %mul3A_112, %mul3A_119 : vector<16xf32>
        %add3A_163 = arith.addf %mul3A_126, %mul3A_133 : vector<16xf32>
        %add3A_164 = arith.addf %mul3A_140, %mul3A_147 : vector<16xf32>
        %add3A_165 = arith.addf %mul3A_154, %mul3A_161 : vector<16xf32>
        %add3A_166 = arith.addf %add3A_162, %add3A_163 : vector<16xf32>
        %add3A_167 = arith.addf %add3A_164, %add3A_165 : vector<16xf32>
        %add3A_168 = arith.addf %add3A_166, %add3A_167 : vector<16xf32>
        %reduce_sum3A_169 = arith.constant true
        %reduce_sum3A_170 = vector.broadcast %reduce_sum3A_169 : i1 to vector<16xi1>
        %reduce_sum3A_171 = tpu.scan <sum>, %add3A_168 masked %reduce_sum3A_170 : vector<16xf32>, vector<16xi1> -> vector<16xf32>
        %reduce_sum3A_172 = vector.extract %reduce_sum3A_171[15] : f32 from vector<16xf32>
        %eq3A_173 = arith.constant 1 : i32
        %eq3A_174 = vector.broadcast %eq3A_173 : i32 to vector<16xi32>
        %eq3A_175 = arith.cmpi eq, %iota3A, %eq3A_174 : vector<16xi32>
        %broadcast_in_dim3A_176 = vector.broadcast %reduce_sum3A_172 : f32 to vector<16xf32>
        %select_n3A_177 = arith.select %eq3A_175, %broadcast_in_dim3A_176, %select_n3A : vector<16xi1>, vector<16xf32>
        %mul3A_178 = arith.constant 16 : i32
        %mul3A_179 = arith.muli %scan3A_28, %mul3A_178 : i32
        %add3A_180 = arith.constant 2 : i32
        %add3A_181 = arith.addi %mul3A_179, %add3A_180 : i32
        %get3A_182 = arith.index_cast %add3A_181 : i32 to index
        %get3A_183 = arith.constant 0 : index
        %get3A_184 = tpu.vector_load %arg8[%get3A_182, %get3A_183] {strides = array<i32>} : memref<80x128xf32, #tpu.memory_space<vmem>>, vector<16xf32>,
        %get3A_185 = arith.index_cast %add3A_181 : i32 to index
        %get3A_186 = arith.constant 0 : index
        %get3A_187 = tpu.vector_load %arg9[%get3A_185, %get3A_186] {strides = array<i32>} : memref<80x128xf32, #tpu.memory_space<vmem>>, vector<16xf32>,
        %mul3A_188 = arith.mulf %get3A_184, %get3A_187 : vector<16xf32>
        %get3A_189 = arith.index_cast %add3A_181 : i32 to index
        %get3A_190 = arith.constant 16 : index
        %get3A_191 = tpu.vector_load %arg8[%get3A_189, %get3A_190] {strides = array<i32>} : memref<80x128xf32, #tpu.memory_space<vmem>>, vector<16xf32>,
        %get3A_192 = arith.index_cast %add3A_181 : i32 to index
        %get3A_193 = arith.constant 16 : index
        %get3A_194 = tpu.vector_load %arg9[%get3A_192, %get3A_193] {strides = array<i32>} : memref<80x128xf32, #tpu.memory_space<vmem>>, vector<16xf32>,
        %mul3A_195 = arith.mulf %get3A_191, %get3A_194 : vector<16xf32>
        %get3A_196 = arith.index_cast %add3A_181 : i32 to index
        %get3A_197 = arith.constant 32 : index
        %get3A_198 = tpu.vector_load %arg8[%get3A_196, %get3A_197] {strides = array<i32>} : memref<80x128xf32, #tpu.memory_space<vmem>>, vector<16xf32>,
        %get3A_199 = arith.index_cast %add3A_181 : i32 to index
        %get3A_200 = arith.constant 32 : index
        %get3A_201 = tpu.vector_load %arg9[%get3A_199, %get3A_200] {strides = array<i32>} : memref<80x128xf32, #tpu.memory_space<vmem>>, vector<16xf32>,
        %mul3A_202 = arith.mulf %get3A_198, %get3A_201 : vector<16xf32>
        %get3A_203 = arith.index_cast %add3A_181 : i32 to index
        %get3A_204 = arith.constant 48 : index
        %get3A_205 = tpu.vector_load %arg8[%get3A_203, %get3A_204] {strides = array<i32>} : memref<80x128xf32, #tpu.memory_space<vmem>>, vector<16xf32>,
        %get3A_206 = arith.index_cast %add3A_181 : i32 to index
        %get3A_207 = arith.constant 48 : index
        %get3A_208 = tpu.vector_load %arg9[%get3A_206, %get3A_207] {strides = array<i32>} : memref<80x128xf32, #tpu.memory_space<vmem>>, vector<16xf32>,
        %mul3A_209 = arith.mulf %get3A_205, %get3A_208 : vector<16xf32>
        %get3A_210 = arith.index_cast %add3A_181 : i32 to index
        %get3A_211 = arith.constant 64 : index
        %get3A_212 = tpu.vector_load %arg8[%get3A_210, %get3A_211] {strides = array<i32>} : memref<80x128xf32, #tpu.memory_space<vmem>>, vector<16xf32>,
        %get3A_213 = arith.index_cast %add3A_181 : i32 to index
        %get3A_214 = arith.constant 64 : index
        %get3A_215 = tpu.vector_load %arg9[%get3A_213, %get3A_214] {strides = array<i32>} : memref<80x128xf32, #tpu.memory_space<vmem>>, vector<16xf32>,
        %mul3A_216 = arith.mulf %get3A_212, %get3A_215 : vector<16xf32>
        %get3A_217 = arith.index_cast %add3A_181 : i32 to index
        %get3A_218 = arith.constant 80 : index
        %get3A_219 = tpu.vector_load %arg8[%get3A_217, %get3A_218] {strides = array<i32>} : memref<80x128xf32, #tpu.memory_space<vmem>>, vector<16xf32>,
        %get3A_220 = arith.index_cast %add3A_181 : i32 to index
        %get3A_221 = arith.constant 80 : index
        %get3A_222 = tpu.vector_load %arg9[%get3A_220, %get3A_221] {strides = array<i32>} : memref<80x128xf32, #tpu.memory_space<vmem>>, vector<16xf32>,
        %mul3A_223 = arith.mulf %get3A_219, %get3A_222 : vector<16xf32>
        %get3A_224 = arith.index_cast %add3A_181 : i32 to index
        %get3A_225 = arith.constant 96 : index
        %get3A_226 = tpu.vector_load %arg8[%get3A_224, %get3A_225] {strides = array<i32>} : memref<80x128xf32, #tpu.memory_space<vmem>>, vector<16xf32>,
        %get3A_227 = arith.index_cast %add3A_181 : i32 to index
        %get3A_228 = arith.constant 96 : index
        %get3A_229 = tpu.vector_load %arg9[%get3A_227, %get3A_228] {strides = array<i32>} : memref<80x128xf32, #tpu.memory_space<vmem>>, vector<16xf32>,
        %mul3A_230 = arith.mulf %get3A_226, %get3A_229 : vector<16xf32>
        %get3A_231 = arith.index_cast %add3A_181 : i32 to index
        %get3A_232 = arith.constant 112 : index
        %get3A_233 = tpu.vector_load %arg8[%get3A_231, %get3A_232] {strides = array<i32>} : memref<80x128xf32, #tpu.memory_space<vmem>>, vector<16xf32>,
        %get3A_234 = arith.index_cast %add3A_181 : i32 to index
        %get3A_235 = arith.constant 112 : index
        %get3A_236 = tpu.vector_load %arg9[%get3A_234, %get3A_235] {strides = array<i32>} : memref<80x128xf32, #tpu.memory_space<vmem>>, vector<16xf32>,
        %mul3A_237 = arith.mulf %get3A_233, %get3A_236 : vector<16xf32>
        %add3A_238 = arith.addf %mul3A_188, %mul3A_195 : vector<16xf32>
        %add3A_239 = arith.addf %mul3A_202, %mul3A_209 : vector<16xf32>
        %add3A_240 = arith.addf %mul3A_216, %mul3A_223 : vector<16xf32>
        %add3A_241 = arith.addf %mul3A_230, %mul3A_237 : vector<16xf32>
        %add3A_242 = arith.addf %add3A_238, %add3A_239 : vector<16xf32>
        %add3A_243 = arith.addf %add3A_240, %add3A_241 : vector<16xf32>
        %add3A_244 = arith.addf %add3A_242, %add3A_243 : vector<16xf32>
        %reduce_sum3A_245 = arith.constant true
        %reduce_sum3A_246 = vector.broadcast %reduce_sum3A_245 : i1 to vector<16xi1>
        %reduce_sum3A_247 = tpu.scan <sum>, %add3A_244 masked %reduce_sum3A_246 : vector<16xf32>, vector<16xi1> -> vector<16xf32>
        %reduce_sum3A_248 = vector.extract %reduce_sum3A_247[15] : f32 from vector<16xf32>
        %eq3A_249 = arith.constant 2 : i32
        %eq3A_250 = vector.broadcast %eq3A_249 : i32 to vector<16xi32>
        %eq3A_251 = arith.cmpi eq, %iota3A, %eq3A_250 : vector<16xi32>
        %broadcast_in_dim3A_252 = vector.broadcast %reduce_sum3A_248 : f32 to vector<16xf32>
        %select_n3A_253 = arith.select %eq3A_251, %broadcast_in_dim3A_252, %select_n3A_177 : vector<16xi1>, vector<16xf32>
        %mul3A_254 = arith.constant 16 : i32
        %mul3A_255 = arith.muli %scan3A_28, %mul3A_254 : i32
        %add3A_256 = arith.constant 3 : i32
        %add3A_257 = arith.addi %mul3A_255, %add3A_256 : i32
        %get3A_258 = arith.index_cast %add3A_257 : i32 to index
        %get3A_259 = arith.constant 0 : index
        %get3A_260 = tpu.vector_load %arg8[%get3A_258, %get3A_259] {strides = array<i32>} : memref<80x128xf32, #tpu.memory_space<vmem>>, vector<16xf32>,
        %get3A_261 = arith.index_cast %add3A_257 : i32 to index
        %get3A_262 = arith.constant 0 : index
        %get3A_263 = tpu.vector_load %arg9[%get3A_261, %get3A_262] {strides = array<i32>} : memref<80x128xf32, #tpu.memory_space<vmem>>, vector<16xf32>,
        %mul3A_264 = arith.mulf %get3A_260, %get3A_263 : vector<16xf32>
        %get3A_265 = arith.index_cast %add3A_257 : i32 to index
        %get3A_266 = arith.constant 16 : index
        %get3A_267 = tpu.vector_load %arg8[%get3A_265, %get3A_266] {strides = array<i32>} : memref<80x128xf32, #tpu.memory_space<vmem>>, vector<16xf32>,
        %get3A_268 = arith.index_cast %add3A_257 : i32 to index
        %get3A_269 = arith.constant 16 : index
        %get3A_270 = tpu.vector_load %arg9[%get3A_268, %get3A_269] {strides = array<i32>} : memref<80x128xf32, #tpu.memory_space<vmem>>, vector<16xf32>,
        %mul3A_271 = arith.mulf %get3A_267, %get3A_270 : vector<16xf32>
        %get3A_272 = arith.index_cast %add3A_257 : i32 to index
        %get3A_273 = arith.constant 32 : index
        %get3A_274 = tpu.vector_load %arg8[%get3A_272, %get3A_273] {strides = array<i32>} : memref<80x128xf32, #tpu.memory_space<vmem>>, vector<16xf32>,
        %get3A_275 = arith.index_cast %add3A_257 : i32 to index
        %get3A_276 = arith.constant 32 : index
        %get3A_277 = tpu.vector_load %arg9[%get3A_275, %get3A_276] {strides = array<i32>} : memref<80x128xf32, #tpu.memory_space<vmem>>, vector<16xf32>,
        %mul3A_278 = arith.mulf %get3A_274, %get3A_277 : vector<16xf32>
        %get3A_279 = arith.index_cast %add3A_257 : i32 to index
        %get3A_280 = arith.constant 48 : index
        %get3A_281 = tpu.vector_load %arg8[%get3A_279, %get3A_280] {strides = array<i32>} : memref<80x128xf32, #tpu.memory_space<vmem>>, vector<16xf32>,
        %get3A_282 = arith.index_cast %add3A_257 : i32 to index
        %get3A_283 = arith.constant 48 : index
        %get3A_284 = tpu.vector_load %arg9[%get3A_282, %get3A_283] {strides = array<i32>} : memref<80x128xf32, #tpu.memory_space<vmem>>, vector<16xf32>,
        %mul3A_285 = arith.mulf %get3A_281, %get3A_284 : vector<16xf32>
        %get3A_286 = arith.index_cast %add3A_257 : i32 to index
        %get3A_287 = arith.constant 64 : index
        %get3A_288 = tpu.vector_load %arg8[%get3A_286, %get3A_287] {strides = array<i32>} : memref<80x128xf32, #tpu.memory_space<vmem>>, vector<16xf32>,
        %get3A_289 = arith.index_cast %add3A_257 : i32 to index
        %get3A_290 = arith.constant 64 : index
        %get3A_291 = tpu.vector_load %arg9[%get3A_289, %get3A_290] {strides = array<i32>} : memref<80x128xf32, #tpu.memory_space<vmem>>, vector<16xf32>,
        %mul3A_292 = arith.mulf %get3A_288, %get3A_291 : vector<16xf32>
        %get3A_293 = arith.index_cast %add3A_257 : i32 to index
        %get3A_294 = arith.constant 80 : index
        %get3A_295 = tpu.vector_load %arg8[%get3A_293, %get3A_294] {strides = array<i32>} : memref<80x128xf32, #tpu.memory_space<vmem>>, vector<16xf32>,
        %get3A_296 = arith.index_cast %add3A_257 : i32 to index
        %get3A_297 = arith.constant 80 : index
        %get3A_298 = tpu.vector_load %arg9[%get3A_296, %get3A_297] {strides = array<i32>} : memref<80x128xf32, #tpu.memory_space<vmem>>, vector<16xf32>,
        %mul3A_299 = arith.mulf %get3A_295, %get3A_298 : vector<16xf32>
        %get3A_300 = arith.index_cast %add3A_257 : i32 to index
        %get3A_301 = arith.constant 96 : index
        %get3A_302 = tpu.vector_load %arg8[%get3A_300, %get3A_301] {strides = array<i32>} : memref<80x128xf32, #tpu.memory_space<vmem>>, vector<16xf32>,
        %get3A_303 = arith.index_cast %add3A_257 : i32 to index
        %get3A_304 = arith.constant 96 : index
        %get3A_305 = tpu.vector_load %arg9[%get3A_303, %get3A_304] {strides = array<i32>} : memref<80x128xf32, #tpu.memory_space<vmem>>, vector<16xf32>,
        %mul3A_306 = arith.mulf %get3A_302, %get3A_305 : vector<16xf32>
        %get3A_307 = arith.index_cast %add3A_257 : i32 to index
        %get3A_308 = arith.constant 112 : index
        %get3A_309 = tpu.vector_load %arg8[%get3A_307, %get3A_308] {strides = array<i32>} : memref<80x128xf32, #tpu.memory_space<vmem>>, vector<16xf32>,
        %get3A_310 = arith.index_cast %add3A_257 : i32 to index
        %get3A_311 = arith.constant 112 : index
        %get3A_312 = tpu.vector_load %arg9[%get3A_310, %get3A_311] {strides = array<i32>} : memref<80x128xf32, #tpu.memory_space<vmem>>, vector<16xf32>,
        %mul3A_313 = arith.mulf %get3A_309, %get3A_312 : vector<16xf32>
        %add3A_314 = arith.addf %mul3A_264, %mul3A_271 : vector<16xf32>
        %add3A_315 = arith.addf %mul3A_278, %mul3A_285 : vector<16xf32>
        %add3A_316 = arith.addf %mul3A_292, %mul3A_299 : vector<16xf32>
        %add3A_317 = arith.addf %mul3A_306, %mul3A_313 : vector<16xf32>
        %add3A_318 = arith.addf %add3A_314, %add3A_315 : vector<16xf32>
        %add3A_319 = arith.addf %add3A_316, %add3A_317 : vector<16xf32>
        %add3A_320 = arith.addf %add3A_318, %add3A_319 : vector<16xf32>
        %reduce_sum3A_321 = arith.constant true
        %reduce_sum3A_322 = vector.broadcast %reduce_sum3A_321 : i1 to vector<16xi1>
        %reduce_sum3A_323 = tpu.scan <sum>, %add3A_320 masked %reduce_sum3A_322 : vector<16xf32>, vector<16xi1> -> vector<16xf32>
        %reduce_sum3A_324 = vector.extract %reduce_sum3A_323[15] : f32 from vector<16xf32>
        %eq3A_325 = arith.constant 3 : i32
        %eq3A_326 = vector.broadcast %eq3A_325 : i32 to vector<16xi32>
        %eq3A_327 = arith.cmpi eq, %iota3A, %eq3A_326 : vector<16xi32>
        %broadcast_in_dim3A_328 = vector.broadcast %reduce_sum3A_324 : f32 to vector<16xf32>
        %select_n3A_329 = arith.select %eq3A_327, %broadcast_in_dim3A_328, %select_n3A_253 : vector<16xi1>, vector<16xf32>
        %mul3A_330 = arith.constant 16 : i32
        %mul3A_331 = arith.muli %scan3A_28, %mul3A_330 : i32
        %add3A_332 = arith.constant 4 : i32
        %add3A_333 = arith.addi %mul3A_331, %add3A_332 : i32
        %get3A_334 = arith.index_cast %add3A_333 : i32 to index
        %get3A_335 = arith.constant 0 : index
        %get3A_336 = tpu.vector_load %arg8[%get3A_334, %get3A_335] {strides = array<i32>} : memref<80x128xf32, #tpu.memory_space<vmem>>, vector<16xf32>,
        %get3A_337 = arith.index_cast %add3A_333 : i32 to index
        %get3A_338 = arith.constant 0 : index
        %get3A_339 = tpu.vector_load %arg9[%get3A_337, %get3A_338] {strides = array<i32>} : memref<80x128xf32, #tpu.memory_space<vmem>>, vector<16xf32>,
        %mul3A_340 = arith.mulf %get3A_336, %get3A_339 : vector<16xf32>
        %get3A_341 = arith.index_cast %add3A_333 : i32 to index
        %get3A_342 = arith.constant 16 : index
        %get3A_343 = tpu.vector_load %arg8[%get3A_341, %get3A_342] {strides = array<i32>} : memref<80x128xf32, #tpu.memory_space<vmem>>, vector<16xf32>,
        %get3A_344 = arith.index_cast %add3A_333 : i32 to index
        %get3A_345 = arith.constant 16 : index
        %get3A_346 = tpu.vector_load %arg9[%get3A_344, %get3A_345] {strides = array<i32>} : memref<80x128xf32, #tpu.memory_space<vmem>>, vector<16xf32>,
        %mul3A_347 = arith.mulf %get3A_343, %get3A_346 : vector<16xf32>
        %get3A_348 = arith.index_cast %add3A_333 : i32 to index
        %get3A_349 = arith.constant 32 : index
        %get3A_350 = tpu.vector_load %arg8[%get3A_348, %get3A_349] {strides = array<i32>} : memref<80x128xf32, #tpu.memory_space<vmem>>, vector<16xf32>,
        %get3A_351 = arith.index_cast %add3A_333 : i32 to index
        %get3A_352 = arith.constant 32 : index
        %get3A_353 = tpu.vector_load %arg9[%get3A_351, %get3A_352] {strides = array<i32>} : memref<80x128xf32, #tpu.memory_space<vmem>>, vector<16xf32>,
        %mul3A_354 = arith.mulf %get3A_350, %get3A_353 : vector<16xf32>
        %get3A_355 = arith.index_cast %add3A_333 : i32 to index
        %get3A_356 = arith.constant 48 : index
        %get3A_357 = tpu.vector_load %arg8[%get3A_355, %get3A_356] {strides = array<i32>} : memref<80x128xf32, #tpu.memory_space<vmem>>, vector<16xf32>,
        %get3A_358 = arith.index_cast %add3A_333 : i32 to index
        %get3A_359 = arith.constant 48 : index
        %get3A_360 = tpu.vector_load %arg9[%get3A_358, %get3A_359] {strides = array<i32>} : memref<80x128xf32, #tpu.memory_space<vmem>>, vector<16xf32>,
        %mul3A_361 = arith.mulf %get3A_357, %get3A_360 : vector<16xf32>
        %get3A_362 = arith.index_cast %add3A_333 : i32 to index
        %get3A_363 = arith.constant 64 : index
        %get3A_364 = tpu.vector_load %arg8[%get3A_362, %get3A_363] {strides = array<i32>} : memref<80x128xf32, #tpu.memory_space<vmem>>, vector<16xf32>,
        %get3A_365 = arith.index_cast %add3A_333 : i32 to index
        %get3A_366 = arith.constant 64 : index
        %get3A_367 = tpu.vector_load %arg9[%get3A_365, %get3A_366] {strides = array<i32>} : memref<80x128xf32, #tpu.memory_space<vmem>>, vector<16xf32>,
        %mul3A_368 = arith.mulf %get3A_364, %get3A_367 : vector<16xf32>
        %get3A_369 = arith.index_cast %add3A_333 : i32 to index
        %get3A_370 = arith.constant 80 : index
        %get3A_371 = tpu.vector_load %arg8[%get3A_369, %get3A_370] {strides = array<i32>} : memref<80x128xf32, #tpu.memory_space<vmem>>, vector<16xf32>,
        %get3A_372 = arith.index_cast %add3A_333 : i32 to index
        %get3A_373 = arith.constant 80 : index
        %get3A_374 = tpu.vector_load %arg9[%get3A_372, %get3A_373] {strides = array<i32>} : memref<80x128xf32, #tpu.memory_space<vmem>>, vector<16xf32>,
        %mul3A_375 = arith.mulf %get3A_371, %get3A_374 : vector<16xf32>
        %get3A_376 = arith.index_cast %add3A_333 : i32 to index
        %get3A_377 = arith.constant 96 : index
        %get3A_378 = tpu.vector_load %arg8[%get3A_376, %get3A_377] {strides = array<i32>} : memref<80x128xf32, #tpu.memory_space<vmem>>, vector<16xf32>,
        %get3A_379 = arith.index_cast %add3A_333 : i32 to index
        %get3A_380 = arith.constant 96 : index
        %get3A_381 = tpu.vector_load %arg9[%get3A_379, %get3A_380] {strides = array<i32>} : memref<80x128xf32, #tpu.memory_space<vmem>>, vector<16xf32>,
        %mul3A_382 = arith.mulf %get3A_378, %get3A_381 : vector<16xf32>
        %get3A_383 = arith.index_cast %add3A_333 : i32 to index
        %get3A_384 = arith.constant 112 : index
        %get3A_385 = tpu.vector_load %arg8[%get3A_383, %get3A_384] {strides = array<i32>} : memref<80x128xf32, #tpu.memory_space<vmem>>, vector<16xf32>,
        %get3A_386 = arith.index_cast %add3A_333 : i32 to index
        %get3A_387 = arith.constant 112 : index
        %get3A_388 = tpu.vector_load %arg9[%get3A_386, %get3A_387] {strides = array<i32>} : memref<80x128xf32, #tpu.memory_space<vmem>>, vector<16xf32>,
        %mul3A_389 = arith.mulf %get3A_385, %get3A_388 : vector<16xf32>
        %add3A_390 = arith.addf %mul3A_340, %mul3A_347 : vector<16xf32>
        %add3A_391 = arith.addf %mul3A_354, %mul3A_361 : vector<16xf32>
        %add3A_392 = arith.addf %mul3A_368, %mul3A_375 : vector<16xf32>
        %add3A_393 = arith.addf %mul3A_382, %mul3A_389 : vector<16xf32>
        %add3A_394 = arith.addf %add3A_390, %add3A_391 : vector<16xf32>
        %add3A_395 = arith.addf %add3A_392, %add3A_393 : vector<16xf32>
        %add3A_396 = arith.addf %add3A_394, %add3A_395 : vector<16xf32>
        %reduce_sum3A_397 = arith.constant true
        %reduce_sum3A_398 = vector.broadcast %reduce_sum3A_397 : i1 to vector<16xi1>
        %reduce_sum3A_399 = tpu.scan <sum>, %add3A_396 masked %reduce_sum3A_398 : vector<16xf32>, vector<16xi1> -> vector<16xf32>
        %reduce_sum3A_400 = vector.extract %reduce_sum3A_399[15] : f32 from vector<16xf32>
        %eq3A_401 = arith.constant 4 : i32
        %eq3A_402 = vector.broadcast %eq3A_401 : i32 to vector<16xi32>
        %eq3A_403 = arith.cmpi eq, %iota3A, %eq3A_402 : vector<16xi32>
        %broadcast_in_dim3A_404 = vector.broadcast %reduce_sum3A_400 : f32 to vector<16xf32>
        %select_n3A_405 = arith.select %eq3A_403, %broadcast_in_dim3A_404, %select_n3A_329 : vector<16xi1>, vector<16xf32>
        %mul3A_406 = arith.constant 16 : i32
        %mul3A_407 = arith.muli %scan3A_28, %mul3A_406 : i32
        %add3A_408 = arith.constant 5 : i32
        %add3A_409 = arith.addi %mul3A_407, %add3A_408 : i32
        %get3A_410 = arith.index_cast %add3A_409 : i32 to index
        %get3A_411 = arith.constant 0 : index
        %get3A_412 = tpu.vector_load %arg8[%get3A_410, %get3A_411] {strides = array<i32>} : memref<80x128xf32, #tpu.memory_space<vmem>>, vector<16xf32>,
        %get3A_413 = arith.index_cast %add3A_409 : i32 to index
        %get3A_414 = arith.constant 0 : index
        %get3A_415 = tpu.vector_load %arg9[%get3A_413, %get3A_414] {strides = array<i32>} : memref<80x128xf32, #tpu.memory_space<vmem>>, vector<16xf32>,
        %mul3A_416 = arith.mulf %get3A_412, %get3A_415 : vector<16xf32>
        %get3A_417 = arith.index_cast %add3A_409 : i32 to index
        %get3A_418 = arith.constant 16 : index
        %get3A_419 = tpu.vector_load %arg8[%get3A_417, %get3A_418] {strides = array<i32>} : memref<80x128xf32, #tpu.memory_space<vmem>>, vector<16xf32>,
        %get3A_420 = arith.index_cast %add3A_409 : i32 to index
        %get3A_421 = arith.constant 16 : index
        %get3A_422 = tpu.vector_load %arg9[%get3A_420, %get3A_421] {strides = array<i32>} : memref<80x128xf32, #tpu.memory_space<vmem>>, vector<16xf32>,
        %mul3A_423 = arith.mulf %get3A_419, %get3A_422 : vector<16xf32>
        %get3A_424 = arith.index_cast %add3A_409 : i32 to index
        %get3A_425 = arith.constant 32 : index
        %get3A_426 = tpu.vector_load %arg8[%get3A_424, %get3A_425] {strides = array<i32>} : memref<80x128xf32, #tpu.memory_space<vmem>>, vector<16xf32>,
        %get3A_427 = arith.index_cast %add3A_409 : i32 to index
        %get3A_428 = arith.constant 32 : index
        %get3A_429 = tpu.vector_load %arg9[%get3A_427, %get3A_428] {strides = array<i32>} : memref<80x128xf32, #tpu.memory_space<vmem>>, vector<16xf32>,
        %mul3A_430 = arith.mulf %get3A_426, %get3A_429 : vector<16xf32>
        %get3A_431 = arith.index_cast %add3A_409 : i32 to index
        %get3A_432 = arith.constant 48 : index
        %get3A_433 = tpu.vector_load %arg8[%get3A_431, %get3A_432] {strides = array<i32>} : memref<80x128xf32, #tpu.memory_space<vmem>>, vector<16xf32>,
        %get3A_434 = arith.index_cast %add3A_409 : i32 to index
        %get3A_435 = arith.constant 48 : index
        %get3A_436 = tpu.vector_load %arg9[%get3A_434, %get3A_435] {strides = array<i32>} : memref<80x128xf32, #tpu.memory_space<vmem>>, vector<16xf32>,
        %mul3A_437 = arith.mulf %get3A_433, %get3A_436 : vector<16xf32>
        %get3A_438 = arith.index_cast %add3A_409 : i32 to index
        %get3A_439 = arith.constant 64 : index
        %get3A_440 = tpu.vector_load %arg8[%get3A_438, %get3A_439] {strides = array<i32>} : memref<80x128xf32, #tpu.memory_space<vmem>>, vector<16xf32>,
        %get3A_441 = arith.index_cast %add3A_409 : i32 to index
        %get3A_442 = arith.constant 64 : index
        %get3A_443 = tpu.vector_load %arg9[%get3A_441, %get3A_442] {strides = array<i32>} : memref<80x128xf32, #tpu.memory_space<vmem>>, vector<16xf32>,
        %mul3A_444 = arith.mulf %get3A_440, %get3A_443 : vector<16xf32>
        %get3A_445 = arith.index_cast %add3A_409 : i32 to index
        %get3A_446 = arith.constant 80 : index
        %get3A_447 = tpu.vector_load %arg8[%get3A_445, %get3A_446] {strides = array<i32>} : memref<80x128xf32, #tpu.memory_space<vmem>>, vector<16xf32>,
        %get3A_448 = arith.index_cast %add3A_409 : i32 to index
        %get3A_449 = arith.constant 80 : index
        %get3A_450 = tpu.vector_load %arg9[%get3A_448, %get3A_449] {strides = array<i32>} : memref<80x128xf32, #tpu.memory_space<vmem>>, vector<16xf32>,
        %mul3A_451 = arith.mulf %get3A_447, %get3A_450 : vector<16xf32>
        %get3A_452 = arith.index_cast %add3A_409 : i32 to index
        %get3A_453 = arith.constant 96 : index
        %get3A_454 = tpu.vector_load %arg8[%get3A_452, %get3A_453] {strides = array<i32>} : memref<80x128xf32, #tpu.memory_space<vmem>>, vector<16xf32>,
        %get3A_455 = arith.index_cast %add3A_409 : i32 to index
        %get3A_456 = arith.constant 96 : index
        %get3A_457 = tpu.vector_load %arg9[%get3A_455, %get3A_456] {strides = array<i32>} : memref<80x128xf32, #tpu.memory_space<vmem>>, vector<16xf32>,
        %mul3A_458 = arith.mulf %get3A_454, %get3A_457 : vector<16xf32>
        %get3A_459 = arith.index_cast %add3A_409 : i32 to index
        %get3A_460 = arith.constant 112 : index
        %get3A_461 = tpu.vector_load %arg8[%get3A_459, %get3A_460] {strides = array<i32>} : memref<80x128xf32, #tpu.memory_space<vmem>>, vector<16xf32>,
        %get3A_462 = arith.index_cast %add3A_409 : i32 to index
        %get3A_463 = arith.constant 112 : index
        %get3A_464 = tpu.vector_load %arg9[%get3A_462, %get3A_463] {strides = array<i32>} : memref<80x128xf32, #tpu.memory_space<vmem>>, vector<16xf32>,
        %mul3A_465 = arith.mulf %get3A_461, %get3A_464 : vector<16xf32>
        %add3A_466 = arith.addf %mul3A_416, %mul3A_423 : vector<16xf32>
        %add3A_467 = arith.addf %mul3A_430, %mul3A_437 : vector<16xf32>
        %add3A_468 = arith.addf %mul3A_444, %mul3A_451 : vector<16xf32>
        %add3A_469 = arith.addf %mul3A_458, %mul3A_465 : vector<16xf32>
        %add3A_470 = arith.addf %add3A_466, %add3A_467 : vector<16xf32>
        %add3A_471 = arith.addf %add3A_468, %add3A_469 : vector<16xf32>
        %add3A_472 = arith.addf %add3A_470, %add3A_471 : vector<16xf32>
        %reduce_sum3A_473 = arith.constant true
        %reduce_sum3A_474 = vector.broadcast %reduce_sum3A_473 : i1 to vector<16xi1>
        %reduce_sum3A_475 = tpu.scan <sum>, %add3A_472 masked %reduce_sum3A_474 : vector<16xf32>, vector<16xi1> -> vector<16xf32>
        %reduce_sum3A_476 = vector.extract %reduce_sum3A_475[15] : f32 from vector<16xf32>
        %eq3A_477 = arith.constant 5 : i32
        %eq3A_478 = vector.broadcast %eq3A_477 : i32 to vector<16xi32>
        %eq3A_479 = arith.cmpi eq, %iota3A, %eq3A_478 : vector<16xi32>
        %broadcast_in_dim3A_480 = vector.broadcast %reduce_sum3A_476 : f32 to vector<16xf32>
        %select_n3A_481 = arith.select %eq3A_479, %broadcast_in_dim3A_480, %select_n3A_405 : vector<16xi1>, vector<16xf32>
        %mul3A_482 = arith.constant 16 : i32
        %mul3A_483 = arith.muli %scan3A_28, %mul3A_482 : i32
        %add3A_484 = arith.constant 6 : i32
        %add3A_485 = arith.addi %mul3A_483, %add3A_484 : i32
        %get3A_486 = arith.index_cast %add3A_485 : i32 to index
        %get3A_487 = arith.constant 0 : index
        %get3A_488 = tpu.vector_load %arg8[%get3A_486, %get3A_487] {strides = array<i32>} : memref<80x128xf32, #tpu.memory_space<vmem>>, vector<16xf32>,
        %get3A_489 = arith.index_cast %add3A_485 : i32 to index
        %get3A_490 = arith.constant 0 : index
        %get3A_491 = tpu.vector_load %arg9[%get3A_489, %get3A_490] {strides = array<i32>} : memref<80x128xf32, #tpu.memory_space<vmem>>, vector<16xf32>,
        %mul3A_492 = arith.mulf %get3A_488, %get3A_491 : vector<16xf32>
        %get3A_493 = arith.index_cast %add3A_485 : i32 to index
        %get3A_494 = arith.constant 16 : index
        %get3A_495 = tpu.vector_load %arg8[%get3A_493, %get3A_494] {strides = array<i32>} : memref<80x128xf32, #tpu.memory_space<vmem>>, vector<16xf32>,
        %get3A_496 = arith.index_cast %add3A_485 : i32 to index
        %get3A_497 = arith.constant 16 : index
        %get3A_498 = tpu.vector_load %arg9[%get3A_496, %get3A_497] {strides = array<i32>} : memref<80x128xf32, #tpu.memory_space<vmem>>, vector<16xf32>,
        %mul3A_499 = arith.mulf %get3A_495, %get3A_498 : vector<16xf32>
        %get3A_500 = arith.index_cast %add3A_485 : i32 to index
        %get3A_501 = arith.constant 32 : index
        %get3A_502 = tpu.vector_load %arg8[%get3A_500, %get3A_501] {strides = array<i32>} : memref<80x128xf32, #tpu.memory_space<vmem>>, vector<16xf32>,
        %get3A_503 = arith.index_cast %add3A_485 : i32 to index
        %get3A_504 = arith.constant 32 : index
        %get3A_505 = tpu.vector_load %arg9[%get3A_503, %get3A_504] {strides = array<i32>} : memref<80x128xf32, #tpu.memory_space<vmem>>, vector<16xf32>,
        %mul3A_506 = arith.mulf %get3A_502, %get3A_505 : vector<16xf32>
        %get3A_507 = arith.index_cast %add3A_485 : i32 to index
        %get3A_508 = arith.constant 48 : index
        %get3A_509 = tpu.vector_load %arg8[%get3A_507, %get3A_508] {strides = array<i32>} : memref<80x128xf32, #tpu.memory_space<vmem>>, vector<16xf32>,
        %get3A_510 = arith.index_cast %add3A_485 : i32 to index
        %get3A_511 = arith.constant 48 : index
        %get3A_512 = tpu.vector_load %arg9[%get3A_510, %get3A_511] {strides = array<i32>} : memref<80x128xf32, #tpu.memory_space<vmem>>, vector<16xf32>,
        %mul3A_513 = arith.mulf %get3A_509, %get3A_512 : vector<16xf32>
        %get3A_514 = arith.index_cast %add3A_485 : i32 to index
        %get3A_515 = arith.constant 64 : index
        %get3A_516 = tpu.vector_load %arg8[%get3A_514, %get3A_515] {strides = array<i32>} : memref<80x128xf32, #tpu.memory_space<vmem>>, vector<16xf32>,
        %get3A_517 = arith.index_cast %add3A_485 : i32 to index
        %get3A_518 = arith.constant 64 : index
        %get3A_519 = tpu.vector_load %arg9[%get3A_517, %get3A_518] {strides = array<i32>} : memref<80x128xf32, #tpu.memory_space<vmem>>, vector<16xf32>,
        %mul3A_520 = arith.mulf %get3A_516, %get3A_519 : vector<16xf32>
        %get3A_521 = arith.index_cast %add3A_485 : i32 to index
        %get3A_522 = arith.constant 80 : index
        %get3A_523 = tpu.vector_load %arg8[%get3A_521, %get3A_522] {strides = array<i32>} : memref<80x128xf32, #tpu.memory_space<vmem>>, vector<16xf32>,
        %get3A_524 = arith.index_cast %add3A_485 : i32 to index
        %get3A_525 = arith.constant 80 : index
        %get3A_526 = tpu.vector_load %arg9[%get3A_524, %get3A_525] {strides = array<i32>} : memref<80x128xf32, #tpu.memory_space<vmem>>, vector<16xf32>,
        %mul3A_527 = arith.mulf %get3A_523, %get3A_526 : vector<16xf32>
        %get3A_528 = arith.index_cast %add3A_485 : i32 to index
        %get3A_529 = arith.constant 96 : index
        %get3A_530 = tpu.vector_load %arg8[%get3A_528, %get3A_529] {strides = array<i32>} : memref<80x128xf32, #tpu.memory_space<vmem>>, vector<16xf32>,
        %get3A_531 = arith.index_cast %add3A_485 : i32 to index
        %get3A_532 = arith.constant 96 : index
        %get3A_533 = tpu.vector_load %arg9[%get3A_531, %get3A_532] {strides = array<i32>} : memref<80x128xf32, #tpu.memory_space<vmem>>, vector<16xf32>,
        %mul3A_534 = arith.mulf %get3A_530, %get3A_533 : vector<16xf32>
        %get3A_535 = arith.index_cast %add3A_485 : i32 to index
        %get3A_536 = arith.constant 112 : index
        %get3A_537 = tpu.vector_load %arg8[%get3A_535, %get3A_536] {strides = array<i32>} : memref<80x128xf32, #tpu.memory_space<vmem>>, vector<16xf32>,
        %get3A_538 = arith.index_cast %add3A_485 : i32 to index
        %get3A_539 = arith.constant 112 : index
        %get3A_540 = tpu.vector_load %arg9[%get3A_538, %get3A_539] {strides = array<i32>} : memref<80x128xf32, #tpu.memory_space<vmem>>, vector<16xf32>,
        %mul3A_541 = arith.mulf %get3A_537, %get3A_540 : vector<16xf32>
        %add3A_542 = arith.addf %mul3A_492, %mul3A_499 : vector<16xf32>
        %add3A_543 = arith.addf %mul3A_506, %mul3A_513 : vector<16xf32>
        %add3A_544 = arith.addf %mul3A_520, %mul3A_527 : vector<16xf32>
        %add3A_545 = arith.addf %mul3A_534, %mul3A_541 : vector<16xf32>
        %add3A_546 = arith.addf %add3A_542, %add3A_543 : vector<16xf32>
        %add3A_547 = arith.addf %add3A_544, %add3A_545 : vector<16xf32>
        %add3A_548 = arith.addf %add3A_546, %add3A_547 : vector<16xf32>
        %reduce_sum3A_549 = arith.constant true
        %reduce_sum3A_550 = vector.broadcast %reduce_sum3A_549 : i1 to vector<16xi1>
        %reduce_sum3A_551 = tpu.scan <sum>, %add3A_548 masked %reduce_sum3A_550 : vector<16xf32>, vector<16xi1> -> vector<16xf32>
        %reduce_sum3A_552 = vector.extract %reduce_sum3A_551[15] : f32 from vector<16xf32>
        %eq3A_553 = arith.constant 6 : i32
        %eq3A_554 = vector.broadcast %eq3A_553 : i32 to vector<16xi32>
        %eq3A_555 = arith.cmpi eq, %iota3A, %eq3A_554 : vector<16xi32>
        %broadcast_in_dim3A_556 = vector.broadcast %reduce_sum3A_552 : f32 to vector<16xf32>
        %select_n3A_557 = arith.select %eq3A_555, %broadcast_in_dim3A_556, %select_n3A_481 : vector<16xi1>, vector<16xf32>
        %mul3A_558 = arith.constant 16 : i32
        %mul3A_559 = arith.muli %scan3A_28, %mul3A_558 : i32
        %add3A_560 = arith.constant 7 : i32
        %add3A_561 = arith.addi %mul3A_559, %add3A_560 : i32
        %get3A_562 = arith.index_cast %add3A_561 : i32 to index
        %get3A_563 = arith.constant 0 : index
        %get3A_564 = tpu.vector_load %arg8[%get3A_562, %get3A_563] {strides = array<i32>} : memref<80x128xf32, #tpu.memory_space<vmem>>, vector<16xf32>,
        %get3A_565 = arith.index_cast %add3A_561 : i32 to index
        %get3A_566 = arith.constant 0 : index
        %get3A_567 = tpu.vector_load %arg9[%get3A_565, %get3A_566] {strides = array<i32>} : memref<80x128xf32, #tpu.memory_space<vmem>>, vector<16xf32>,
        %mul3A_568 = arith.mulf %get3A_564, %get3A_567 : vector<16xf32>
        %get3A_569 = arith.index_cast %add3A_561 : i32 to index
        %get3A_570 = arith.constant 16 : index
        %get3A_571 = tpu.vector_load %arg8[%get3A_569, %get3A_570] {strides = array<i32>} : memref<80x128xf32, #tpu.memory_space<vmem>>, vector<16xf32>,
        %get3A_572 = arith.index_cast %add3A_561 : i32 to index
        %get3A_573 = arith.constant 16 : index
        %get3A_574 = tpu.vector_load %arg9[%get3A_572, %get3A_573] {strides = array<i32>} : memref<80x128xf32, #tpu.memory_space<vmem>>, vector<16xf32>,
        %mul3A_575 = arith.mulf %get3A_571, %get3A_574 : vector<16xf32>
        %get3A_576 = arith.index_cast %add3A_561 : i32 to index
        %get3A_577 = arith.constant 32 : index
        %get3A_578 = tpu.vector_load %arg8[%get3A_576, %get3A_577] {strides = array<i32>} : memref<80x128xf32, #tpu.memory_space<vmem>>, vector<16xf32>,
        %get3A_579 = arith.index_cast %add3A_561 : i32 to index
        %get3A_580 = arith.constant 32 : index
        %get3A_581 = tpu.vector_load %arg9[%get3A_579, %get3A_580] {strides = array<i32>} : memref<80x128xf32, #tpu.memory_space<vmem>>, vector<16xf32>,
        %mul3A_582 = arith.mulf %get3A_578, %get3A_581 : vector<16xf32>
        %get3A_583 = arith.index_cast %add3A_561 : i32 to index
        %get3A_584 = arith.constant 48 : index
        %get3A_585 = tpu.vector_load %arg8[%get3A_583, %get3A_584] {strides = array<i32>} : memref<80x128xf32, #tpu.memory_space<vmem>>, vector<16xf32>,
        %get3A_586 = arith.index_cast %add3A_561 : i32 to index
        %get3A_587 = arith.constant 48 : index
        %get3A_588 = tpu.vector_load %arg9[%get3A_586, %get3A_587] {strides = array<i32>} : memref<80x128xf32, #tpu.memory_space<vmem>>, vector<16xf32>,
        %mul3A_589 = arith.mulf %get3A_585, %get3A_588 : vector<16xf32>
        %get3A_590 = arith.index_cast %add3A_561 : i32 to index
        %get3A_591 = arith.constant 64 : index
        %get3A_592 = tpu.vector_load %arg8[%get3A_590, %get3A_591] {strides = array<i32>} : memref<80x128xf32, #tpu.memory_space<vmem>>, vector<16xf32>,
        %get3A_593 = arith.index_cast %add3A_561 : i32 to index
        %get3A_594 = arith.constant 64 : index
        %get3A_595 = tpu.vector_load %arg9[%get3A_593, %get3A_594] {strides = array<i32>} : memref<80x128xf32, #tpu.memory_space<vmem>>, vector<16xf32>,
        %mul3A_596 = arith.mulf %get3A_592, %get3A_595 : vector<16xf32>
        %get3A_597 = arith.index_cast %add3A_561 : i32 to index
        %get3A_598 = arith.constant 80 : index
        %get3A_599 = tpu.vector_load %arg8[%get3A_597, %get3A_598] {strides = array<i32>} : memref<80x128xf32, #tpu.memory_space<vmem>>, vector<16xf32>,
        %get3A_600 = arith.index_cast %add3A_561 : i32 to index
        %get3A_601 = arith.constant 80 : index
        %get3A_602 = tpu.vector_load %arg9[%get3A_600, %get3A_601] {strides = array<i32>} : memref<80x128xf32, #tpu.memory_space<vmem>>, vector<16xf32>,
        %mul3A_603 = arith.mulf %get3A_599, %get3A_602 : vector<16xf32>
        %get3A_604 = arith.index_cast %add3A_561 : i32 to index
        %get3A_605 = arith.constant 96 : index
        %get3A_606 = tpu.vector_load %arg8[%get3A_604, %get3A_605] {strides = array<i32>} : memref<80x128xf32, #tpu.memory_space<vmem>>, vector<16xf32>,
        %get3A_607 = arith.index_cast %add3A_561 : i32 to index
        %get3A_608 = arith.constant 96 : index
        %get3A_609 = tpu.vector_load %arg9[%get3A_607, %get3A_608] {strides = array<i32>} : memref<80x128xf32, #tpu.memory_space<vmem>>, vector<16xf32>,
        %mul3A_610 = arith.mulf %get3A_606, %get3A_609 : vector<16xf32>
        %get3A_611 = arith.index_cast %add3A_561 : i32 to index
        %get3A_612 = arith.constant 112 : index
        %get3A_613 = tpu.vector_load %arg8[%get3A_611, %get3A_612] {strides = array<i32>} : memref<80x128xf32, #tpu.memory_space<vmem>>, vector<16xf32>,
        %get3A_614 = arith.index_cast %add3A_561 : i32 to index
        %get3A_615 = arith.constant 112 : index
        %get3A_616 = tpu.vector_load %arg9[%get3A_614, %get3A_615] {strides = array<i32>} : memref<80x128xf32, #tpu.memory_space<vmem>>, vector<16xf32>,
        %mul3A_617 = arith.mulf %get3A_613, %get3A_616 : vector<16xf32>
        %add3A_618 = arith.addf %mul3A_568, %mul3A_575 : vector<16xf32>
        %add3A_619 = arith.addf %mul3A_582, %mul3A_589 : vector<16xf32>
        %add3A_620 = arith.addf %mul3A_596, %mul3A_603 : vector<16xf32>
        %add3A_621 = arith.addf %mul3A_610, %mul3A_617 : vector<16xf32>
        %add3A_622 = arith.addf %add3A_618, %add3A_619 : vector<16xf32>
        %add3A_623 = arith.addf %add3A_620, %add3A_621 : vector<16xf32>
        %add3A_624 = arith.addf %add3A_622, %add3A_623 : vector<16xf32>
        %reduce_sum3A_625 = arith.constant true
        %reduce_sum3A_626 = vector.broadcast %reduce_sum3A_625 : i1 to vector<16xi1>
        %reduce_sum3A_627 = tpu.scan <sum>, %add3A_624 masked %reduce_sum3A_626 : vector<16xf32>, vector<16xi1> -> vector<16xf32>
        %reduce_sum3A_628 = vector.extract %reduce_sum3A_627[15] : f32 from vector<16xf32>
        %eq3A_629 = arith.constant 7 : i32
        %eq3A_630 = vector.broadcast %eq3A_629 : i32 to vector<16xi32>
        %eq3A_631 = arith.cmpi eq, %iota3A, %eq3A_630 : vector<16xi32>
        %broadcast_in_dim3A_632 = vector.broadcast %reduce_sum3A_628 : f32 to vector<16xf32>
        %select_n3A_633 = arith.select %eq3A_631, %broadcast_in_dim3A_632, %select_n3A_557 : vector<16xi1>, vector<16xf32>
        %mul3A_634 = arith.constant 16 : i32
        %mul3A_635 = arith.muli %scan3A_28, %mul3A_634 : i32
        %add3A_636 = arith.constant 8 : i32
        %add3A_637 = arith.addi %mul3A_635, %add3A_636 : i32
        %get3A_638 = arith.index_cast %add3A_637 : i32 to index
        %get3A_639 = arith.constant 0 : index
        %get3A_640 = tpu.vector_load %arg8[%get3A_638, %get3A_639] {strides = array<i32>} : memref<80x128xf32, #tpu.memory_space<vmem>>, vector<16xf32>,
        %get3A_641 = arith.index_cast %add3A_637 : i32 to index
        %get3A_642 = arith.constant 0 : index
        %get3A_643 = tpu.vector_load %arg9[%get3A_641, %get3A_642] {strides = array<i32>} : memref<80x128xf32, #tpu.memory_space<vmem>>, vector<16xf32>,
        %mul3A_644 = arith.mulf %get3A_640, %get3A_643 : vector<16xf32>
        %get3A_645 = arith.index_cast %add3A_637 : i32 to index
        %get3A_646 = arith.constant 16 : index
        %get3A_647 = tpu.vector_load %arg8[%get3A_645, %get3A_646] {strides = array<i32>} : memref<80x128xf32, #tpu.memory_space<vmem>>, vector<16xf32>,
        %get3A_648 = arith.index_cast %add3A_637 : i32 to index
        %get3A_649 = arith.constant 16 : index
        %get3A_650 = tpu.vector_load %arg9[%get3A_648, %get3A_649] {strides = array<i32>} : memref<80x128xf32, #tpu.memory_space<vmem>>, vector<16xf32>,
        %mul3A_651 = arith.mulf %get3A_647, %get3A_650 : vector<16xf32>
        %get3A_652 = arith.index_cast %add3A_637 : i32 to index
        %get3A_653 = arith.constant 32 : index
        %get3A_654 = tpu.vector_load %arg8[%get3A_652, %get3A_653] {strides = array<i32>} : memref<80x128xf32, #tpu.memory_space<vmem>>, vector<16xf32>,
        %get3A_655 = arith.index_cast %add3A_637 : i32 to index
        %get3A_656 = arith.constant 32 : index
        %get3A_657 = tpu.vector_load %arg9[%get3A_655, %get3A_656] {strides = array<i32>} : memref<80x128xf32, #tpu.memory_space<vmem>>, vector<16xf32>,
        %mul3A_658 = arith.mulf %get3A_654, %get3A_657 : vector<16xf32>
        %get3A_659 = arith.index_cast %add3A_637 : i32 to index
        %get3A_660 = arith.constant 48 : index
        %get3A_661 = tpu.vector_load %arg8[%get3A_659, %get3A_660] {strides = array<i32>} : memref<80x128xf32, #tpu.memory_space<vmem>>, vector<16xf32>,
        %get3A_662 = arith.index_cast %add3A_637 : i32 to index
        %get3A_663 = arith.constant 48 : index
        %get3A_664 = tpu.vector_load %arg9[%get3A_662, %get3A_663] {strides = array<i32>} : memref<80x128xf32, #tpu.memory_space<vmem>>, vector<16xf32>,
        %mul3A_665 = arith.mulf %get3A_661, %get3A_664 : vector<16xf32>
        %get3A_666 = arith.index_cast %add3A_637 : i32 to index
        %get3A_667 = arith.constant 64 : index
        %get3A_668 = tpu.vector_load %arg8[%get3A_666, %get3A_667] {strides = array<i32>} : memref<80x128xf32, #tpu.memory_space<vmem>>, vector<16xf32>,
        %get3A_669 = arith.index_cast %add3A_637 : i32 to index
        %get3A_670 = arith.constant 64 : index
        %get3A_671 = tpu.vector_load %arg9[%get3A_669, %get3A_670] {strides = array<i32>} : memref<80x128xf32, #tpu.memory_space<vmem>>, vector<16xf32>,
        %mul3A_672 = arith.mulf %get3A_668, %get3A_671 : vector<16xf32>
        %get3A_673 = arith.index_cast %add3A_637 : i32 to index
        %get3A_674 = arith.constant 80 : index
        %get3A_675 = tpu.vector_load %arg8[%get3A_673, %get3A_674] {strides = array<i32>} : memref<80x128xf32, #tpu.memory_space<vmem>>, vector<16xf32>,
        %get3A_676 = arith.index_cast %add3A_637 : i32 to index
        %get3A_677 = arith.constant 80 : index
        %get3A_678 = tpu.vector_load %arg9[%get3A_676, %get3A_677] {strides = array<i32>} : memref<80x128xf32, #tpu.memory_space<vmem>>, vector<16xf32>,
        %mul3A_679 = arith.mulf %get3A_675, %get3A_678 : vector<16xf32>
        %get3A_680 = arith.index_cast %add3A_637 : i32 to index
        %get3A_681 = arith.constant 96 : index
        %get3A_682 = tpu.vector_load %arg8[%get3A_680, %get3A_681] {strides = array<i32>} : memref<80x128xf32, #tpu.memory_space<vmem>>, vector<16xf32>,
        %get3A_683 = arith.index_cast %add3A_637 : i32 to index
        %get3A_684 = arith.constant 96 : index
        %get3A_685 = tpu.vector_load %arg9[%get3A_683, %get3A_684] {strides = array<i32>} : memref<80x128xf32, #tpu.memory_space<vmem>>, vector<16xf32>,
        %mul3A_686 = arith.mulf %get3A_682, %get3A_685 : vector<16xf32>
        %get3A_687 = arith.index_cast %add3A_637 : i32 to index
        %get3A_688 = arith.constant 112 : index
        %get3A_689 = tpu.vector_load %arg8[%get3A_687, %get3A_688] {strides = array<i32>} : memref<80x128xf32, #tpu.memory_space<vmem>>, vector<16xf32>,
        %get3A_690 = arith.index_cast %add3A_637 : i32 to index
        %get3A_691 = arith.constant 112 : index
        %get3A_692 = tpu.vector_load %arg9[%get3A_690, %get3A_691] {strides = array<i32>} : memref<80x128xf32, #tpu.memory_space<vmem>>, vector<16xf32>,
        %mul3A_693 = arith.mulf %get3A_689, %get3A_692 : vector<16xf32>
        %add3A_694 = arith.addf %mul3A_644, %mul3A_651 : vector<16xf32>
        %add3A_695 = arith.addf %mul3A_658, %mul3A_665 : vector<16xf32>
        %add3A_696 = arith.addf %mul3A_672, %mul3A_679 : vector<16xf32>
        %add3A_697 = arith.addf %mul3A_686, %mul3A_693 : vector<16xf32>
        %add3A_698 = arith.addf %add3A_694, %add3A_695 : vector<16xf32>
        %add3A_699 = arith.addf %add3A_696, %add3A_697 : vector<16xf32>
        %add3A_700 = arith.addf %add3A_698, %add3A_699 : vector<16xf32>
        %reduce_sum3A_701 = arith.constant true
        %reduce_sum3A_702 = vector.broadcast %reduce_sum3A_701 : i1 to vector<16xi1>
        %reduce_sum3A_703 = tpu.scan <sum>, %add3A_700 masked %reduce_sum3A_702 : vector<16xf32>, vector<16xi1> -> vector<16xf32>
        %reduce_sum3A_704 = vector.extract %reduce_sum3A_703[15] : f32 from vector<16xf32>
        %eq3A_705 = arith.constant 8 : i32
        %eq3A_706 = vector.broadcast %eq3A_705 : i32 to vector<16xi32>
        %eq3A_707 = arith.cmpi eq, %iota3A, %eq3A_706 : vector<16xi32>
        %broadcast_in_dim3A_708 = vector.broadcast %reduce_sum3A_704 : f32 to vector<16xf32>
        %select_n3A_709 = arith.select %eq3A_707, %broadcast_in_dim3A_708, %select_n3A_633 : vector<16xi1>, vector<16xf32>
        %mul3A_710 = arith.constant 16 : i32
        %mul3A_711 = arith.muli %scan3A_28, %mul3A_710 : i32
        %add3A_712 = arith.constant 9 : i32
        %add3A_713 = arith.addi %mul3A_711, %add3A_712 : i32
        %get3A_714 = arith.index_cast %add3A_713 : i32 to index
        %get3A_715 = arith.constant 0 : index
        %get3A_716 = tpu.vector_load %arg8[%get3A_714, %get3A_715] {strides = array<i32>} : memref<80x128xf32, #tpu.memory_space<vmem>>, vector<16xf32>,
        %get3A_717 = arith.index_cast %add3A_713 : i32 to index
        %get3A_718 = arith.constant 0 : index
        %get3A_719 = tpu.vector_load %arg9[%get3A_717, %get3A_718] {strides = array<i32>} : memref<80x128xf32, #tpu.memory_space<vmem>>, vector<16xf32>,
        %mul3A_720 = arith.mulf %get3A_716, %get3A_719 : vector<16xf32>
        %get3A_721 = arith.index_cast %add3A_713 : i32 to index
        %get3A_722 = arith.constant 16 : index
        %get3A_723 = tpu.vector_load %arg8[%get3A_721, %get3A_722] {strides = array<i32>} : memref<80x128xf32, #tpu.memory_space<vmem>>, vector<16xf32>,
        %get3A_724 = arith.index_cast %add3A_713 : i32 to index
        %get3A_725 = arith.constant 16 : index
        %get3A_726 = tpu.vector_load %arg9[%get3A_724, %get3A_725] {strides = array<i32>} : memref<80x128xf32, #tpu.memory_space<vmem>>, vector<16xf32>,
        %mul3A_727 = arith.mulf %get3A_723, %get3A_726 : vector<16xf32>
        %get3A_728 = arith.index_cast %add3A_713 : i32 to index
        %get3A_729 = arith.constant 32 : index
        %get3A_730 = tpu.vector_load %arg8[%get3A_728, %get3A_729] {strides = array<i32>} : memref<80x128xf32, #tpu.memory_space<vmem>>, vector<16xf32>,
        %get3A_731 = arith.index_cast %add3A_713 : i32 to index
        %get3A_732 = arith.constant 32 : index
        %get3A_733 = tpu.vector_load %arg9[%get3A_731, %get3A_732] {strides = array<i32>} : memref<80x128xf32, #tpu.memory_space<vmem>>, vector<16xf32>,
        %mul3A_734 = arith.mulf %get3A_730, %get3A_733 : vector<16xf32>
        %get3A_735 = arith.index_cast %add3A_713 : i32 to index
        %get3A_736 = arith.constant 48 : index
        %get3A_737 = tpu.vector_load %arg8[%get3A_735, %get3A_736] {strides = array<i32>} : memref<80x128xf32, #tpu.memory_space<vmem>>, vector<16xf32>,
        %get3A_738 = arith.index_cast %add3A_713 : i32 to index
        %get3A_739 = arith.constant 48 : index
        %get3A_740 = tpu.vector_load %arg9[%get3A_738, %get3A_739] {strides = array<i32>} : memref<80x128xf32, #tpu.memory_space<vmem>>, vector<16xf32>,
        %mul3A_741 = arith.mulf %get3A_737, %get3A_740 : vector<16xf32>
        %get3A_742 = arith.index_cast %add3A_713 : i32 to index
        %get3A_743 = arith.constant 64 : index
        %get3A_744 = tpu.vector_load %arg8[%get3A_742, %get3A_743] {strides = array<i32>} : memref<80x128xf32, #tpu.memory_space<vmem>>, vector<16xf32>,
        %get3A_745 = arith.index_cast %add3A_713 : i32 to index
        %get3A_746 = arith.constant 64 : index
        %get3A_747 = tpu.vector_load %arg9[%get3A_745, %get3A_746] {strides = array<i32>} : memref<80x128xf32, #tpu.memory_space<vmem>>, vector<16xf32>,
        %mul3A_748 = arith.mulf %get3A_744, %get3A_747 : vector<16xf32>
        %get3A_749 = arith.index_cast %add3A_713 : i32 to index
        %get3A_750 = arith.constant 80 : index
        %get3A_751 = tpu.vector_load %arg8[%get3A_749, %get3A_750] {strides = array<i32>} : memref<80x128xf32, #tpu.memory_space<vmem>>, vector<16xf32>,
        %get3A_752 = arith.index_cast %add3A_713 : i32 to index
        %get3A_753 = arith.constant 80 : index
        %get3A_754 = tpu.vector_load %arg9[%get3A_752, %get3A_753] {strides = array<i32>} : memref<80x128xf32, #tpu.memory_space<vmem>>, vector<16xf32>,
        %mul3A_755 = arith.mulf %get3A_751, %get3A_754 : vector<16xf32>
        %get3A_756 = arith.index_cast %add3A_713 : i32 to index
        %get3A_757 = arith.constant 96 : index
        %get3A_758 = tpu.vector_load %arg8[%get3A_756, %get3A_757] {strides = array<i32>} : memref<80x128xf32, #tpu.memory_space<vmem>>, vector<16xf32>,
        %get3A_759 = arith.index_cast %add3A_713 : i32 to index
        %get3A_760 = arith.constant 96 : index
        %get3A_761 = tpu.vector_load %arg9[%get3A_759, %get3A_760] {strides = array<i32>} : memref<80x128xf32, #tpu.memory_space<vmem>>, vector<16xf32>,
        %mul3A_762 = arith.mulf %get3A_758, %get3A_761 : vector<16xf32>
        %get3A_763 = arith.index_cast %add3A_713 : i32 to index
        %get3A_764 = arith.constant 112 : index
        %get3A_765 = tpu.vector_load %arg8[%get3A_763, %get3A_764] {strides = array<i32>} : memref<80x128xf32, #tpu.memory_space<vmem>>, vector<16xf32>,
        %get3A_766 = arith.index_cast %add3A_713 : i32 to index
        %get3A_767 = arith.constant 112 : index
        %get3A_768 = tpu.vector_load %arg9[%get3A_766, %get3A_767] {strides = array<i32>} : memref<80x128xf32, #tpu.memory_space<vmem>>, vector<16xf32>,
        %mul3A_769 = arith.mulf %get3A_765, %get3A_768 : vector<16xf32>
        %add3A_770 = arith.addf %mul3A_720, %mul3A_727 : vector<16xf32>
        %add3A_771 = arith.addf %mul3A_734, %mul3A_741 : vector<16xf32>
        %add3A_772 = arith.addf %mul3A_748, %mul3A_755 : vector<16xf32>
        %add3A_773 = arith.addf %mul3A_762, %mul3A_769 : vector<16xf32>
        %add3A_774 = arith.addf %add3A_770, %add3A_771 : vector<16xf32>
        %add3A_775 = arith.addf %add3A_772, %add3A_773 : vector<16xf32>
        %add3A_776 = arith.addf %add3A_774, %add3A_775 : vector<16xf32>
        %reduce_sum3A_777 = arith.constant true
        %reduce_sum3A_778 = vector.broadcast %reduce_sum3A_777 : i1 to vector<16xi1>
        %reduce_sum3A_779 = tpu.scan <sum>, %add3A_776 masked %reduce_sum3A_778 : vector<16xf32>, vector<16xi1> -> vector<16xf32>
        %reduce_sum3A_780 = vector.extract %reduce_sum3A_779[15] : f32 from vector<16xf32>
        %eq3A_781 = arith.constant 9 : i32
        %eq3A_782 = vector.broadcast %eq3A_781 : i32 to vector<16xi32>
        %eq3A_783 = arith.cmpi eq, %iota3A, %eq3A_782 : vector<16xi32>
        %broadcast_in_dim3A_784 = vector.broadcast %reduce_sum3A_780 : f32 to vector<16xf32>
        %select_n3A_785 = arith.select %eq3A_783, %broadcast_in_dim3A_784, %select_n3A_709 : vector<16xi1>, vector<16xf32>
        %mul3A_786 = arith.constant 16 : i32
        %mul3A_787 = arith.muli %scan3A_28, %mul3A_786 : i32
        %add3A_788 = arith.constant 10 : i32
        %add3A_789 = arith.addi %mul3A_787, %add3A_788 : i32
        %get3A_790 = arith.index_cast %add3A_789 : i32 to index
        %get3A_791 = arith.constant 0 : index
        %get3A_792 = tpu.vector_load %arg8[%get3A_790, %get3A_791] {strides = array<i32>} : memref<80x128xf32, #tpu.memory_space<vmem>>, vector<16xf32>,
        %get3A_793 = arith.index_cast %add3A_789 : i32 to index
        %get3A_794 = arith.constant 0 : index
        %get3A_795 = tpu.vector_load %arg9[%get3A_793, %get3A_794] {strides = array<i32>} : memref<80x128xf32, #tpu.memory_space<vmem>>, vector<16xf32>,
        %mul3A_796 = arith.mulf %get3A_792, %get3A_795 : vector<16xf32>
        %get3A_797 = arith.index_cast %add3A_789 : i32 to index
        %get3A_798 = arith.constant 16 : index
        %get3A_799 = tpu.vector_load %arg8[%get3A_797, %get3A_798] {strides = array<i32>} : memref<80x128xf32, #tpu.memory_space<vmem>>, vector<16xf32>,
        %get3A_800 = arith.index_cast %add3A_789 : i32 to index
        %get3A_801 = arith.constant 16 : index
        %get3A_802 = tpu.vector_load %arg9[%get3A_800, %get3A_801] {strides = array<i32>} : memref<80x128xf32, #tpu.memory_space<vmem>>, vector<16xf32>,
        %mul3A_803 = arith.mulf %get3A_799, %get3A_802 : vector<16xf32>
        %get3A_804 = arith.index_cast %add3A_789 : i32 to index
        %get3A_805 = arith.constant 32 : index
        %get3A_806 = tpu.vector_load %arg8[%get3A_804, %get3A_805] {strides = array<i32>} : memref<80x128xf32, #tpu.memory_space<vmem>>, vector<16xf32>,
        %get3A_807 = arith.index_cast %add3A_789 : i32 to index
        %get3A_808 = arith.constant 32 : index
        %get3A_809 = tpu.vector_load %arg9[%get3A_807, %get3A_808] {strides = array<i32>} : memref<80x128xf32, #tpu.memory_space<vmem>>, vector<16xf32>,
        %mul3A_810 = arith.mulf %get3A_806, %get3A_809 : vector<16xf32>
        %get3A_811 = arith.index_cast %add3A_789 : i32 to index
        %get3A_812 = arith.constant 48 : index
        %get3A_813 = tpu.vector_load %arg8[%get3A_811, %get3A_812] {strides = array<i32>} : memref<80x128xf32, #tpu.memory_space<vmem>>, vector<16xf32>,
        %get3A_814 = arith.index_cast %add3A_789 : i32 to index
        %get3A_815 = arith.constant 48 : index
        %get3A_816 = tpu.vector_load %arg9[%get3A_814, %get3A_815] {strides = array<i32>} : memref<80x128xf32, #tpu.memory_space<vmem>>, vector<16xf32>,
        %mul3A_817 = arith.mulf %get3A_813, %get3A_816 : vector<16xf32>
        %get3A_818 = arith.index_cast %add3A_789 : i32 to index
        %get3A_819 = arith.constant 64 : index
        %get3A_820 = tpu.vector_load %arg8[%get3A_818, %get3A_819] {strides = array<i32>} : memref<80x128xf32, #tpu.memory_space<vmem>>, vector<16xf32>,
        %get3A_821 = arith.index_cast %add3A_789 : i32 to index
        %get3A_822 = arith.constant 64 : index
        %get3A_823 = tpu.vector_load %arg9[%get3A_821, %get3A_822] {strides = array<i32>} : memref<80x128xf32, #tpu.memory_space<vmem>>, vector<16xf32>,
        %mul3A_824 = arith.mulf %get3A_820, %get3A_823 : vector<16xf32>
        %get3A_825 = arith.index_cast %add3A_789 : i32 to index
        %get3A_826 = arith.constant 80 : index
        %get3A_827 = tpu.vector_load %arg8[%get3A_825, %get3A_826] {strides = array<i32>} : memref<80x128xf32, #tpu.memory_space<vmem>>, vector<16xf32>,
        %get3A_828 = arith.index_cast %add3A_789 : i32 to index
        %get3A_829 = arith.constant 80 : index
        %get3A_830 = tpu.vector_load %arg9[%get3A_828, %get3A_829] {strides = array<i32>} : memref<80x128xf32, #tpu.memory_space<vmem>>, vector<16xf32>,
        %mul3A_831 = arith.mulf %get3A_827, %get3A_830 : vector<16xf32>
        %get3A_832 = arith.index_cast %add3A_789 : i32 to index
        %get3A_833 = arith.constant 96 : index
        %get3A_834 = tpu.vector_load %arg8[%get3A_832, %get3A_833] {strides = array<i32>} : memref<80x128xf32, #tpu.memory_space<vmem>>, vector<16xf32>,
        %get3A_835 = arith.index_cast %add3A_789 : i32 to index
        %get3A_836 = arith.constant 96 : index
        %get3A_837 = tpu.vector_load %arg9[%get3A_835, %get3A_836] {strides = array<i32>} : memref<80x128xf32, #tpu.memory_space<vmem>>, vector<16xf32>,
        %mul3A_838 = arith.mulf %get3A_834, %get3A_837 : vector<16xf32>
        %get3A_839 = arith.index_cast %add3A_789 : i32 to index
        %get3A_840 = arith.constant 112 : index
        %get3A_841 = tpu.vector_load %arg8[%get3A_839, %get3A_840] {strides = array<i32>} : memref<80x128xf32, #tpu.memory_space<vmem>>, vector<16xf32>,
        %get3A_842 = arith.index_cast %add3A_789 : i32 to index
        %get3A_843 = arith.constant 112 : index
        %get3A_844 = tpu.vector_load %arg9[%get3A_842, %get3A_843] {strides = array<i32>} : memref<80x128xf32, #tpu.memory_space<vmem>>, vector<16xf32>,
        %mul3A_845 = arith.mulf %get3A_841, %get3A_844 : vector<16xf32>
        %add3A_846 = arith.addf %mul3A_796, %mul3A_803 : vector<16xf32>
        %add3A_847 = arith.addf %mul3A_810, %mul3A_817 : vector<16xf32>
        %add3A_848 = arith.addf %mul3A_824, %mul3A_831 : vector<16xf32>
        %add3A_849 = arith.addf %mul3A_838, %mul3A_845 : vector<16xf32>
        %add3A_850 = arith.addf %add3A_846, %add3A_847 : vector<16xf32>
        %add3A_851 = arith.addf %add3A_848, %add3A_849 : vector<16xf32>
        %add3A_852 = arith.addf %add3A_850, %add3A_851 : vector<16xf32>
        %reduce_sum3A_853 = arith.constant true
        %reduce_sum3A_854 = vector.broadcast %reduce_sum3A_853 : i1 to vector<16xi1>
        %reduce_sum3A_855 = tpu.scan <sum>, %add3A_852 masked %reduce_sum3A_854 : vector<16xf32>, vector<16xi1> -> vector<16xf32>
        %reduce_sum3A_856 = vector.extract %reduce_sum3A_855[15] : f32 from vector<16xf32>
        %eq3A_857 = arith.constant 10 : i32
        %eq3A_858 = vector.broadcast %eq3A_857 : i32 to vector<16xi32>
        %eq3A_859 = arith.cmpi eq, %iota3A, %eq3A_858 : vector<16xi32>
        %broadcast_in_dim3A_860 = vector.broadcast %reduce_sum3A_856 : f32 to vector<16xf32>
        %select_n3A_861 = arith.select %eq3A_859, %broadcast_in_dim3A_860, %select_n3A_785 : vector<16xi1>, vector<16xf32>
        %mul3A_862 = arith.constant 16 : i32
        %mul3A_863 = arith.muli %scan3A_28, %mul3A_862 : i32
        %add3A_864 = arith.constant 11 : i32
        %add3A_865 = arith.addi %mul3A_863, %add3A_864 : i32
        %get3A_866 = arith.index_cast %add3A_865 : i32 to index
        %get3A_867 = arith.constant 0 : index
        %get3A_868 = tpu.vector_load %arg8[%get3A_866, %get3A_867] {strides = array<i32>} : memref<80x128xf32, #tpu.memory_space<vmem>>, vector<16xf32>,
        %get3A_869 = arith.index_cast %add3A_865 : i32 to index
        %get3A_870 = arith.constant 0 : index
        %get3A_871 = tpu.vector_load %arg9[%get3A_869, %get3A_870] {strides = array<i32>} : memref<80x128xf32, #tpu.memory_space<vmem>>, vector<16xf32>,
        %mul3A_872 = arith.mulf %get3A_868, %get3A_871 : vector<16xf32>
        %get3A_873 = arith.index_cast %add3A_865 : i32 to index
        %get3A_874 = arith.constant 16 : index
        %get3A_875 = tpu.vector_load %arg8[%get3A_873, %get3A_874] {strides = array<i32>} : memref<80x128xf32, #tpu.memory_space<vmem>>, vector<16xf32>,
        %get3A_876 = arith.index_cast %add3A_865 : i32 to index
        %get3A_877 = arith.constant 16 : index
        %get3A_878 = tpu.vector_load %arg9[%get3A_876, %get3A_877] {strides = array<i32>} : memref<80x128xf32, #tpu.memory_space<vmem>>, vector<16xf32>,
        %mul3A_879 = arith.mulf %get3A_875, %get3A_878 : vector<16xf32>
        %get3A_880 = arith.index_cast %add3A_865 : i32 to index
        %get3A_881 = arith.constant 32 : index
        %get3A_882 = tpu.vector_load %arg8[%get3A_880, %get3A_881] {strides = array<i32>} : memref<80x128xf32, #tpu.memory_space<vmem>>, vector<16xf32>,
        %get3A_883 = arith.index_cast %add3A_865 : i32 to index
        %get3A_884 = arith.constant 32 : index
        %get3A_885 = tpu.vector_load %arg9[%get3A_883, %get3A_884] {strides = array<i32>} : memref<80x128xf32, #tpu.memory_space<vmem>>, vector<16xf32>,
        %mul3A_886 = arith.mulf %get3A_882, %get3A_885 : vector<16xf32>
        %get3A_887 = arith.index_cast %add3A_865 : i32 to index
        %get3A_888 = arith.constant 48 : index
        %get3A_889 = tpu.vector_load %arg8[%get3A_887, %get3A_888] {strides = array<i32>} : memref<80x128xf32, #tpu.memory_space<vmem>>, vector<16xf32>,
        %get3A_890 = arith.index_cast %add3A_865 : i32 to index
        %get3A_891 = arith.constant 48 : index
        %get3A_892 = tpu.vector_load %arg9[%get3A_890, %get3A_891] {strides = array<i32>} : memref<80x128xf32, #tpu.memory_space<vmem>>, vector<16xf32>,
        %mul3A_893 = arith.mulf %get3A_889, %get3A_892 : vector<16xf32>
        %get3A_894 = arith.index_cast %add3A_865 : i32 to index
        %get3A_895 = arith.constant 64 : index
        %get3A_896 = tpu.vector_load %arg8[%get3A_894, %get3A_895] {strides = array<i32>} : memref<80x128xf32, #tpu.memory_space<vmem>>, vector<16xf32>,
        %get3A_897 = arith.index_cast %add3A_865 : i32 to index
        %get3A_898 = arith.constant 64 : index
        %get3A_899 = tpu.vector_load %arg9[%get3A_897, %get3A_898] {strides = array<i32>} : memref<80x128xf32, #tpu.memory_space<vmem>>, vector<16xf32>,
        %mul3A_900 = arith.mulf %get3A_896, %get3A_899 : vector<16xf32>
        %get3A_901 = arith.index_cast %add3A_865 : i32 to index
        %get3A_902 = arith.constant 80 : index
        %get3A_903 = tpu.vector_load %arg8[%get3A_901, %get3A_902] {strides = array<i32>} : memref<80x128xf32, #tpu.memory_space<vmem>>, vector<16xf32>,
        %get3A_904 = arith.index_cast %add3A_865 : i32 to index
        %get3A_905 = arith.constant 80 : index
        %get3A_906 = tpu.vector_load %arg9[%get3A_904, %get3A_905] {strides = array<i32>} : memref<80x128xf32, #tpu.memory_space<vmem>>, vector<16xf32>,
        %mul3A_907 = arith.mulf %get3A_903, %get3A_906 : vector<16xf32>
        %get3A_908 = arith.index_cast %add3A_865 : i32 to index
        %get3A_909 = arith.constant 96 : index
        %get3A_910 = tpu.vector_load %arg8[%get3A_908, %get3A_909] {strides = array<i32>} : memref<80x128xf32, #tpu.memory_space<vmem>>, vector<16xf32>,
        %get3A_911 = arith.index_cast %add3A_865 : i32 to index
        %get3A_912 = arith.constant 96 : index
        %get3A_913 = tpu.vector_load %arg9[%get3A_911, %get3A_912] {strides = array<i32>} : memref<80x128xf32, #tpu.memory_space<vmem>>, vector<16xf32>,
        %mul3A_914 = arith.mulf %get3A_910, %get3A_913 : vector<16xf32>
        %get3A_915 = arith.index_cast %add3A_865 : i32 to index
        %get3A_916 = arith.constant 112 : index
        %get3A_917 = tpu.vector_load %arg8[%get3A_915, %get3A_916] {strides = array<i32>} : memref<80x128xf32, #tpu.memory_space<vmem>>, vector<16xf32>,
        %get3A_918 = arith.index_cast %add3A_865 : i32 to index
        %get3A_919 = arith.constant 112 : index
        %get3A_920 = tpu.vector_load %arg9[%get3A_918, %get3A_919] {strides = array<i32>} : memref<80x128xf32, #tpu.memory_space<vmem>>, vector<16xf32>,
        %mul3A_921 = arith.mulf %get3A_917, %get3A_920 : vector<16xf32>
        %add3A_922 = arith.addf %mul3A_872, %mul3A_879 : vector<16xf32>
        %add3A_923 = arith.addf %mul3A_886, %mul3A_893 : vector<16xf32>
        %add3A_924 = arith.addf %mul3A_900, %mul3A_907 : vector<16xf32>
        %add3A_925 = arith.addf %mul3A_914, %mul3A_921 : vector<16xf32>
        %add3A_926 = arith.addf %add3A_922, %add3A_923 : vector<16xf32>
        %add3A_927 = arith.addf %add3A_924, %add3A_925 : vector<16xf32>
        %add3A_928 = arith.addf %add3A_926, %add3A_927 : vector<16xf32>
        %reduce_sum3A_929 = arith.constant true
        %reduce_sum3A_930 = vector.broadcast %reduce_sum3A_929 : i1 to vector<16xi1>
        %reduce_sum3A_931 = tpu.scan <sum>, %add3A_928 masked %reduce_sum3A_930 : vector<16xf32>, vector<16xi1> -> vector<16xf32>
        %reduce_sum3A_932 = vector.extract %reduce_sum3A_931[15] : f32 from vector<16xf32>
        %eq3A_933 = arith.constant 11 : i32
        %eq3A_934 = vector.broadcast %eq3A_933 : i32 to vector<16xi32>
        %eq3A_935 = arith.cmpi eq, %iota3A, %eq3A_934 : vector<16xi32>
        %broadcast_in_dim3A_936 = vector.broadcast %reduce_sum3A_932 : f32 to vector<16xf32>
        %select_n3A_937 = arith.select %eq3A_935, %broadcast_in_dim3A_936, %select_n3A_861 : vector<16xi1>, vector<16xf32>
        %mul3A_938 = arith.constant 16 : i32
        %mul3A_939 = arith.muli %scan3A_28, %mul3A_938 : i32
        %add3A_940 = arith.constant 12 : i32
        %add3A_941 = arith.addi %mul3A_939, %add3A_940 : i32
        %get3A_942 = arith.index_cast %add3A_941 : i32 to index
        %get3A_943 = arith.constant 0 : index
        %get3A_944 = tpu.vector_load %arg8[%get3A_942, %get3A_943] {strides = array<i32>} : memref<80x128xf32, #tpu.memory_space<vmem>>, vector<16xf32>,
        %get3A_945 = arith.index_cast %add3A_941 : i32 to index
        %get3A_946 = arith.constant 0 : index
        %get3A_947 = tpu.vector_load %arg9[%get3A_945, %get3A_946] {strides = array<i32>} : memref<80x128xf32, #tpu.memory_space<vmem>>, vector<16xf32>,
        %mul3A_948 = arith.mulf %get3A_944, %get3A_947 : vector<16xf32>
        %get3A_949 = arith.index_cast %add3A_941 : i32 to index
        %get3A_950 = arith.constant 16 : index
        %get3A_951 = tpu.vector_load %arg8[%get3A_949, %get3A_950] {strides = array<i32>} : memref<80x128xf32, #tpu.memory_space<vmem>>, vector<16xf32>,
        %get3A_952 = arith.index_cast %add3A_941 : i32 to index
        %get3A_953 = arith.constant 16 : index
        %get3A_954 = tpu.vector_load %arg9[%get3A_952, %get3A_953] {strides = array<i32>} : memref<80x128xf32, #tpu.memory_space<vmem>>, vector<16xf32>,
        %mul3A_955 = arith.mulf %get3A_951, %get3A_954 : vector<16xf32>
        %get3A_956 = arith.index_cast %add3A_941 : i32 to index
        %get3A_957 = arith.constant 32 : index
        %get3A_958 = tpu.vector_load %arg8[%get3A_956, %get3A_957] {strides = array<i32>} : memref<80x128xf32, #tpu.memory_space<vmem>>, vector<16xf32>,
        %get3A_959 = arith.index_cast %add3A_941 : i32 to index
        %get3A_960 = arith.constant 32 : index
        %get3A_961 = tpu.vector_load %arg9[%get3A_959, %get3A_960] {strides = array<i32>} : memref<80x128xf32, #tpu.memory_space<vmem>>, vector<16xf32>,
        %mul3A_962 = arith.mulf %get3A_958, %get3A_961 : vector<16xf32>
        %get3A_963 = arith.index_cast %add3A_941 : i32 to index
        %get3A_964 = arith.constant 48 : index
        %get3A_965 = tpu.vector_load %arg8[%get3A_963, %get3A_964] {strides = array<i32>} : memref<80x128xf32, #tpu.memory_space<vmem>>, vector<16xf32>,
        %get3A_966 = arith.index_cast %add3A_941 : i32 to index
        %get3A_967 = arith.constant 48 : index
        %get3A_968 = tpu.vector_load %arg9[%get3A_966, %get3A_967] {strides = array<i32>} : memref<80x128xf32, #tpu.memory_space<vmem>>, vector<16xf32>,
        %mul3A_969 = arith.mulf %get3A_965, %get3A_968 : vector<16xf32>
        %get3A_970 = arith.index_cast %add3A_941 : i32 to index
        %get3A_971 = arith.constant 64 : index
        %get3A_972 = tpu.vector_load %arg8[%get3A_970, %get3A_971] {strides = array<i32>} : memref<80x128xf32, #tpu.memory_space<vmem>>, vector<16xf32>,
        %get3A_973 = arith.index_cast %add3A_941 : i32 to index
        %get3A_974 = arith.constant 64 : index
        %get3A_975 = tpu.vector_load %arg9[%get3A_973, %get3A_974] {strides = array<i32>} : memref<80x128xf32, #tpu.memory_space<vmem>>, vector<16xf32>,
        %mul3A_976 = arith.mulf %get3A_972, %get3A_975 : vector<16xf32>
        %get3A_977 = arith.index_cast %add3A_941 : i32 to index
        %get3A_978 = arith.constant 80 : index
        %get3A_979 = tpu.vector_load %arg8[%get3A_977, %get3A_978] {strides = array<i32>} : memref<80x128xf32, #tpu.memory_space<vmem>>, vector<16xf32>,
        %get3A_980 = arith.index_cast %add3A_941 : i32 to index
        %get3A_981 = arith.constant 80 : index
        %get3A_982 = tpu.vector_load %arg9[%get3A_980, %get3A_981] {strides = array<i32>} : memref<80x128xf32, #tpu.memory_space<vmem>>, vector<16xf32>,
        %mul3A_983 = arith.mulf %get3A_979, %get3A_982 : vector<16xf32>
        %get3A_984 = arith.index_cast %add3A_941 : i32 to index
        %get3A_985 = arith.constant 96 : index
        %get3A_986 = tpu.vector_load %arg8[%get3A_984, %get3A_985] {strides = array<i32>} : memref<80x128xf32, #tpu.memory_space<vmem>>, vector<16xf32>,
        %get3A_987 = arith.index_cast %add3A_941 : i32 to index
        %get3A_988 = arith.constant 96 : index
        %get3A_989 = tpu.vector_load %arg9[%get3A_987, %get3A_988] {strides = array<i32>} : memref<80x128xf32, #tpu.memory_space<vmem>>, vector<16xf32>,
        %mul3A_990 = arith.mulf %get3A_986, %get3A_989 : vector<16xf32>
        %get3A_991 = arith.index_cast %add3A_941 : i32 to index
        %get3A_992 = arith.constant 112 : index
        %get3A_993 = tpu.vector_load %arg8[%get3A_991, %get3A_992] {strides = array<i32>} : memref<80x128xf32, #tpu.memory_space<vmem>>, vector<16xf32>,
        %get3A_994 = arith.index_cast %add3A_941 : i32 to index
        %get3A_995 = arith.constant 112 : index
        %get3A_996 = tpu.vector_load %arg9[%get3A_994, %get3A_995] {strides = array<i32>} : memref<80x128xf32, #tpu.memory_space<vmem>>, vector<16xf32>,
        %mul3A_997 = arith.mulf %get3A_993, %get3A_996 : vector<16xf32>
        %add3A_998 = arith.addf %mul3A_948, %mul3A_955 : vector<16xf32>
        %add3A_999 = arith.addf %mul3A_962, %mul3A_969 : vector<16xf32>
        %add3A_1000 = arith.addf %mul3A_976, %mul3A_983 : vector<16xf32>
        %add3A_1001 = arith.addf %mul3A_990, %mul3A_997 : vector<16xf32>
        %add3A_1002 = arith.addf %add3A_998, %add3A_999 : vector<16xf32>
        %add3A_1003 = arith.addf %add3A_1000, %add3A_1001 : vector<16xf32>
        %add3A_1004 = arith.addf %add3A_1002, %add3A_1003 : vector<16xf32>
        %reduce_sum3A_1005 = arith.constant true
        %reduce_sum3A_1006 = vector.broadcast %reduce_sum3A_1005 : i1 to vector<16xi1>
        %reduce_sum3A_1007 = tpu.scan <sum>, %add3A_1004 masked %reduce_sum3A_1006 : vector<16xf32>, vector<16xi1> -> vector<16xf32>
        %reduce_sum3A_1008 = vector.extract %reduce_sum3A_1007[15] : f32 from vector<16xf32>
        %eq3A_1009 = arith.constant 12 : i32
        %eq3A_1010 = vector.broadcast %eq3A_1009 : i32 to vector<16xi32>
        %eq3A_1011 = arith.cmpi eq, %iota3A, %eq3A_1010 : vector<16xi32>
        %broadcast_in_dim3A_1012 = vector.broadcast %reduce_sum3A_1008 : f32 to vector<16xf32>
        %select_n3A_1013 = arith.select %eq3A_1011, %broadcast_in_dim3A_1012, %select_n3A_937 : vector<16xi1>, vector<16xf32>
        %mul3A_1014 = arith.constant 16 : i32
        %mul3A_1015 = arith.muli %scan3A_28, %mul3A_1014 : i32
        %add3A_1016 = arith.constant 13 : i32
        %add3A_1017 = arith.addi %mul3A_1015, %add3A_1016 : i32
        %get3A_1018 = arith.index_cast %add3A_1017 : i32 to index
        %get3A_1019 = arith.constant 0 : index
        %get3A_1020 = tpu.vector_load %arg8[%get3A_1018, %get3A_1019] {strides = array<i32>} : memref<80x128xf32, #tpu.memory_space<vmem>>, vector<16xf32>,
        %get3A_1021 = arith.index_cast %add3A_1017 : i32 to index
        %get3A_1022 = arith.constant 0 : index
        %get3A_1023 = tpu.vector_load %arg9[%get3A_1021, %get3A_1022] {strides = array<i32>} : memref<80x128xf32, #tpu.memory_space<vmem>>, vector<16xf32>,
        %mul3A_1024 = arith.mulf %get3A_1020, %get3A_1023 : vector<16xf32>
        %get3A_1025 = arith.index_cast %add3A_1017 : i32 to index
        %get3A_1026 = arith.constant 16 : index
        %get3A_1027 = tpu.vector_load %arg8[%get3A_1025, %get3A_1026] {strides = array<i32>} : memref<80x128xf32, #tpu.memory_space<vmem>>, vector<16xf32>,
        %get3A_1028 = arith.index_cast %add3A_1017 : i32 to index
        %get3A_1029 = arith.constant 16 : index
        %get3A_1030 = tpu.vector_load %arg9[%get3A_1028, %get3A_1029] {strides = array<i32>} : memref<80x128xf32, #tpu.memory_space<vmem>>, vector<16xf32>,
        %mul3A_1031 = arith.mulf %get3A_1027, %get3A_1030 : vector<16xf32>
        %get3A_1032 = arith.index_cast %add3A_1017 : i32 to index
        %get3A_1033 = arith.constant 32 : index
        %get3A_1034 = tpu.vector_load %arg8[%get3A_1032, %get3A_1033] {strides = array<i32>} : memref<80x128xf32, #tpu.memory_space<vmem>>, vector<16xf32>,
        %get3A_1035 = arith.index_cast %add3A_1017 : i32 to index
        %get3A_1036 = arith.constant 32 : index
        %get3A_1037 = tpu.vector_load %arg9[%get3A_1035, %get3A_1036] {strides = array<i32>} : memref<80x128xf32, #tpu.memory_space<vmem>>, vector<16xf32>,
        %mul3A_1038 = arith.mulf %get3A_1034, %get3A_1037 : vector<16xf32>
        %get3A_1039 = arith.index_cast %add3A_1017 : i32 to index
        %get3A_1040 = arith.constant 48 : index
        %get3A_1041 = tpu.vector_load %arg8[%get3A_1039, %get3A_1040] {strides = array<i32>} : memref<80x128xf32, #tpu.memory_space<vmem>>, vector<16xf32>,
        %get3A_1042 = arith.index_cast %add3A_1017 : i32 to index
        %get3A_1043 = arith.constant 48 : index
        %get3A_1044 = tpu.vector_load %arg9[%get3A_1042, %get3A_1043] {strides = array<i32>} : memref<80x128xf32, #tpu.memory_space<vmem>>, vector<16xf32>,
        %mul3A_1045 = arith.mulf %get3A_1041, %get3A_1044 : vector<16xf32>
        %get3A_1046 = arith.index_cast %add3A_1017 : i32 to index
        %get3A_1047 = arith.constant 64 : index
        %get3A_1048 = tpu.vector_load %arg8[%get3A_1046, %get3A_1047] {strides = array<i32>} : memref<80x128xf32, #tpu.memory_space<vmem>>, vector<16xf32>,
        %get3A_1049 = arith.index_cast %add3A_1017 : i32 to index
        %get3A_1050 = arith.constant 64 : index
        %get3A_1051 = tpu.vector_load %arg9[%get3A_1049, %get3A_1050] {strides = array<i32>} : memref<80x128xf32, #tpu.memory_space<vmem>>, vector<16xf32>,
        %mul3A_1052 = arith.mulf %get3A_1048, %get3A_1051 : vector<16xf32>
        %get3A_1053 = arith.index_cast %add3A_1017 : i32 to index
        %get3A_1054 = arith.constant 80 : index
        %get3A_1055 = tpu.vector_load %arg8[%get3A_1053, %get3A_1054] {strides = array<i32>} : memref<80x128xf32, #tpu.memory_space<vmem>>, vector<16xf32>,
        %get3A_1056 = arith.index_cast %add3A_1017 : i32 to index
        %get3A_1057 = arith.constant 80 : index
        %get3A_1058 = tpu.vector_load %arg9[%get3A_1056, %get3A_1057] {strides = array<i32>} : memref<80x128xf32, #tpu.memory_space<vmem>>, vector<16xf32>,
        %mul3A_1059 = arith.mulf %get3A_1055, %get3A_1058 : vector<16xf32>
        %get3A_1060 = arith.index_cast %add3A_1017 : i32 to index
        %get3A_1061 = arith.constant 96 : index
        %get3A_1062 = tpu.vector_load %arg8[%get3A_1060, %get3A_1061] {strides = array<i32>} : memref<80x128xf32, #tpu.memory_space<vmem>>, vector<16xf32>,
        %get3A_1063 = arith.index_cast %add3A_1017 : i32 to index
        %get3A_1064 = arith.constant 96 : index
        %get3A_1065 = tpu.vector_load %arg9[%get3A_1063, %get3A_1064] {strides = array<i32>} : memref<80x128xf32, #tpu.memory_space<vmem>>, vector<16xf32>,
        %mul3A_1066 = arith.mulf %get3A_1062, %get3A_1065 : vector<16xf32>
        %get3A_1067 = arith.index_cast %add3A_1017 : i32 to index
        %get3A_1068 = arith.constant 112 : index
        %get3A_1069 = tpu.vector_load %arg8[%get3A_1067, %get3A_1068] {strides = array<i32>} : memref<80x128xf32, #tpu.memory_space<vmem>>, vector<16xf32>,
        %get3A_1070 = arith.index_cast %add3A_1017 : i32 to index
        %get3A_1071 = arith.constant 112 : index
        %get3A_1072 = tpu.vector_load %arg9[%get3A_1070, %get3A_1071] {strides = array<i32>} : memref<80x128xf32, #tpu.memory_space<vmem>>, vector<16xf32>,
        %mul3A_1073 = arith.mulf %get3A_1069, %get3A_1072 : vector<16xf32>
        %add3A_1074 = arith.addf %mul3A_1024, %mul3A_1031 : vector<16xf32>
        %add3A_1075 = arith.addf %mul3A_1038, %mul3A_1045 : vector<16xf32>
        %add3A_1076 = arith.addf %mul3A_1052, %mul3A_1059 : vector<16xf32>
        %add3A_1077 = arith.addf %mul3A_1066, %mul3A_1073 : vector<16xf32>
        %add3A_1078 = arith.addf %add3A_1074, %add3A_1075 : vector<16xf32>
        %add3A_1079 = arith.addf %add3A_1076, %add3A_1077 : vector<16xf32>
        %add3A_1080 = arith.addf %add3A_1078, %add3A_1079 : vector<16xf32>
        %reduce_sum3A_1081 = arith.constant true
        %reduce_sum3A_1082 = vector.broadcast %reduce_sum3A_1081 : i1 to vector<16xi1>
        %reduce_sum3A_1083 = tpu.scan <sum>, %add3A_1080 masked %reduce_sum3A_1082 : vector<16xf32>, vector<16xi1> -> vector<16xf32>
        %reduce_sum3A_1084 = vector.extract %reduce_sum3A_1083[15] : f32 from vector<16xf32>
        %eq3A_1085 = arith.constant 13 : i32
        %eq3A_1086 = vector.broadcast %eq3A_1085 : i32 to vector<16xi32>
        %eq3A_1087 = arith.cmpi eq, %iota3A, %eq3A_1086 : vector<16xi32>
        %broadcast_in_dim3A_1088 = vector.broadcast %reduce_sum3A_1084 : f32 to vector<16xf32>
        %select_n3A_1089 = arith.select %eq3A_1087, %broadcast_in_dim3A_1088, %select_n3A_1013 : vector<16xi1>, vector<16xf32>
        %mul3A_1090 = arith.constant 16 : i32
        %mul3A_1091 = arith.muli %scan3A_28, %mul3A_1090 : i32
        %add3A_1092 = arith.constant 14 : i32
        %add3A_1093 = arith.addi %mul3A_1091, %add3A_1092 : i32
        %get3A_1094 = arith.index_cast %add3A_1093 : i32 to index
        %get3A_1095 = arith.constant 0 : index
        %get3A_1096 = tpu.vector_load %arg8[%get3A_1094, %get3A_1095] {strides = array<i32>} : memref<80x128xf32, #tpu.memory_space<vmem>>, vector<16xf32>,
        %get3A_1097 = arith.index_cast %add3A_1093 : i32 to index
        %get3A_1098 = arith.constant 0 : index
        %get3A_1099 = tpu.vector_load %arg9[%get3A_1097, %get3A_1098] {strides = array<i32>} : memref<80x128xf32, #tpu.memory_space<vmem>>, vector<16xf32>,
        %mul3A_1100 = arith.mulf %get3A_1096, %get3A_1099 : vector<16xf32>
        %get3A_1101 = arith.index_cast %add3A_1093 : i32 to index
        %get3A_1102 = arith.constant 16 : index
        %get3A_1103 = tpu.vector_load %arg8[%get3A_1101, %get3A_1102] {strides = array<i32>} : memref<80x128xf32, #tpu.memory_space<vmem>>, vector<16xf32>,
        %get3A_1104 = arith.index_cast %add3A_1093 : i32 to index
        %get3A_1105 = arith.constant 16 : index
        %get3A_1106 = tpu.vector_load %arg9[%get3A_1104, %get3A_1105] {strides = array<i32>} : memref<80x128xf32, #tpu.memory_space<vmem>>, vector<16xf32>,
        %mul3A_1107 = arith.mulf %get3A_1103, %get3A_1106 : vector<16xf32>
        %get3A_1108 = arith.index_cast %add3A_1093 : i32 to index
        %get3A_1109 = arith.constant 32 : index
        %get3A_1110 = tpu.vector_load %arg8[%get3A_1108, %get3A_1109] {strides = array<i32>} : memref<80x128xf32, #tpu.memory_space<vmem>>, vector<16xf32>,
        %get3A_1111 = arith.index_cast %add3A_1093 : i32 to index
        %get3A_1112 = arith.constant 32 : index
        %get3A_1113 = tpu.vector_load %arg9[%get3A_1111, %get3A_1112] {strides = array<i32>} : memref<80x128xf32, #tpu.memory_space<vmem>>, vector<16xf32>,
        %mul3A_1114 = arith.mulf %get3A_1110, %get3A_1113 : vector<16xf32>
        %get3A_1115 = arith.index_cast %add3A_1093 : i32 to index
        %get3A_1116 = arith.constant 48 : index
        %get3A_1117 = tpu.vector_load %arg8[%get3A_1115, %get3A_1116] {strides = array<i32>} : memref<80x128xf32, #tpu.memory_space<vmem>>, vector<16xf32>,
        %get3A_1118 = arith.index_cast %add3A_1093 : i32 to index
        %get3A_1119 = arith.constant 48 : index
        %get3A_1120 = tpu.vector_load %arg9[%get3A_1118, %get3A_1119] {strides = array<i32>} : memref<80x128xf32, #tpu.memory_space<vmem>>, vector<16xf32>,
        %mul3A_1121 = arith.mulf %get3A_1117, %get3A_1120 : vector<16xf32>
        %get3A_1122 = arith.index_cast %add3A_1093 : i32 to index
        %get3A_1123 = arith.constant 64 : index
        %get3A_1124 = tpu.vector_load %arg8[%get3A_1122, %get3A_1123] {strides = array<i32>} : memref<80x128xf32, #tpu.memory_space<vmem>>, vector<16xf32>,
        %get3A_1125 = arith.index_cast %add3A_1093 : i32 to index
        %get3A_1126 = arith.constant 64 : index
        %get3A_1127 = tpu.vector_load %arg9[%get3A_1125, %get3A_1126] {strides = array<i32>} : memref<80x128xf32, #tpu.memory_space<vmem>>, vector<16xf32>,
        %mul3A_1128 = arith.mulf %get3A_1124, %get3A_1127 : vector<16xf32>
        %get3A_1129 = arith.index_cast %add3A_1093 : i32 to index
        %get3A_1130 = arith.constant 80 : index
        %get3A_1131 = tpu.vector_load %arg8[%get3A_1129, %get3A_1130] {strides = array<i32>} : memref<80x128xf32, #tpu.memory_space<vmem>>, vector<16xf32>,
        %get3A_1132 = arith.index_cast %add3A_1093 : i32 to index
        %get3A_1133 = arith.constant 80 : index
        %get3A_1134 = tpu.vector_load %arg9[%get3A_1132, %get3A_1133] {strides = array<i32>} : memref<80x128xf32, #tpu.memory_space<vmem>>, vector<16xf32>,
        %mul3A_1135 = arith.mulf %get3A_1131, %get3A_1134 : vector<16xf32>
        %get3A_1136 = arith.index_cast %add3A_1093 : i32 to index
        %get3A_1137 = arith.constant 96 : index
        %get3A_1138 = tpu.vector_load %arg8[%get3A_1136, %get3A_1137] {strides = array<i32>} : memref<80x128xf32, #tpu.memory_space<vmem>>, vector<16xf32>,
        %get3A_1139 = arith.index_cast %add3A_1093 : i32 to index
        %get3A_1140 = arith.constant 96 : index
        %get3A_1141 = tpu.vector_load %arg9[%get3A_1139, %get3A_1140] {strides = array<i32>} : memref<80x128xf32, #tpu.memory_space<vmem>>, vector<16xf32>,
        %mul3A_1142 = arith.mulf %get3A_1138, %get3A_1141 : vector<16xf32>
        %get3A_1143 = arith.index_cast %add3A_1093 : i32 to index
        %get3A_1144 = arith.constant 112 : index
        %get3A_1145 = tpu.vector_load %arg8[%get3A_1143, %get3A_1144] {strides = array<i32>} : memref<80x128xf32, #tpu.memory_space<vmem>>, vector<16xf32>,
        %get3A_1146 = arith.index_cast %add3A_1093 : i32 to index
        %get3A_1147 = arith.constant 112 : index
        %get3A_1148 = tpu.vector_load %arg9[%get3A_1146, %get3A_1147] {strides = array<i32>} : memref<80x128xf32, #tpu.memory_space<vmem>>, vector<16xf32>,
        %mul3A_1149 = arith.mulf %get3A_1145, %get3A_1148 : vector<16xf32>
        %add3A_1150 = arith.addf %mul3A_1100, %mul3A_1107 : vector<16xf32>
        %add3A_1151 = arith.addf %mul3A_1114, %mul3A_1121 : vector<16xf32>
        %add3A_1152 = arith.addf %mul3A_1128, %mul3A_1135 : vector<16xf32>
        %add3A_1153 = arith.addf %mul3A_1142, %mul3A_1149 : vector<16xf32>
        %add3A_1154 = arith.addf %add3A_1150, %add3A_1151 : vector<16xf32>
        %add3A_1155 = arith.addf %add3A_1152, %add3A_1153 : vector<16xf32>
        %add3A_1156 = arith.addf %add3A_1154, %add3A_1155 : vector<16xf32>
        %reduce_sum3A_1157 = arith.constant true
        %reduce_sum3A_1158 = vector.broadcast %reduce_sum3A_1157 : i1 to vector<16xi1>
        %reduce_sum3A_1159 = tpu.scan <sum>, %add3A_1156 masked %reduce_sum3A_1158 : vector<16xf32>, vector<16xi1> -> vector<16xf32>
        %reduce_sum3A_1160 = vector.extract %reduce_sum3A_1159[15] : f32 from vector<16xf32>
        %eq3A_1161 = arith.constant 14 : i32
        %eq3A_1162 = vector.broadcast %eq3A_1161 : i32 to vector<16xi32>
        %eq3A_1163 = arith.cmpi eq, %iota3A, %eq3A_1162 : vector<16xi32>
        %broadcast_in_dim3A_1164 = vector.broadcast %reduce_sum3A_1160 : f32 to vector<16xf32>
        %select_n3A_1165 = arith.select %eq3A_1163, %broadcast_in_dim3A_1164, %select_n3A_1089 : vector<16xi1>, vector<16xf32>
        %mul3A_1166 = arith.constant 16 : i32
        %mul3A_1167 = arith.muli %scan3A_28, %mul3A_1166 : i32
        %add3A_1168 = arith.constant 15 : i32
        %add3A_1169 = arith.addi %mul3A_1167, %add3A_1168 : i32
        %get3A_1170 = arith.index_cast %add3A_1169 : i32 to index
        %get3A_1171 = arith.constant 0 : index
        %get3A_1172 = tpu.vector_load %arg8[%get3A_1170, %get3A_1171] {strides = array<i32>} : memref<80x128xf32, #tpu.memory_space<vmem>>, vector<16xf32>,
        %get3A_1173 = arith.index_cast %add3A_1169 : i32 to index
        %get3A_1174 = arith.constant 0 : index
        %get3A_1175 = tpu.vector_load %arg9[%get3A_1173, %get3A_1174] {strides = array<i32>} : memref<80x128xf32, #tpu.memory_space<vmem>>, vector<16xf32>,
        %mul3A_1176 = arith.mulf %get3A_1172, %get3A_1175 : vector<16xf32>
        %get3A_1177 = arith.index_cast %add3A_1169 : i32 to index
        %get3A_1178 = arith.constant 16 : index
        %get3A_1179 = tpu.vector_load %arg8[%get3A_1177, %get3A_1178] {strides = array<i32>} : memref<80x128xf32, #tpu.memory_space<vmem>>, vector<16xf32>,
        %get3A_1180 = arith.index_cast %add3A_1169 : i32 to index
        %get3A_1181 = arith.constant 16 : index
        %get3A_1182 = tpu.vector_load %arg9[%get3A_1180, %get3A_1181] {strides = array<i32>} : memref<80x128xf32, #tpu.memory_space<vmem>>, vector<16xf32>,
        %mul3A_1183 = arith.mulf %get3A_1179, %get3A_1182 : vector<16xf32>
        %get3A_1184 = arith.index_cast %add3A_1169 : i32 to index
        %get3A_1185 = arith.constant 32 : index
        %get3A_1186 = tpu.vector_load %arg8[%get3A_1184, %get3A_1185] {strides = array<i32>} : memref<80x128xf32, #tpu.memory_space<vmem>>, vector<16xf32>,
        %get3A_1187 = arith.index_cast %add3A_1169 : i32 to index
        %get3A_1188 = arith.constant 32 : index
        %get3A_1189 = tpu.vector_load %arg9[%get3A_1187, %get3A_1188] {strides = array<i32>} : memref<80x128xf32, #tpu.memory_space<vmem>>, vector<16xf32>,
        %mul3A_1190 = arith.mulf %get3A_1186, %get3A_1189 : vector<16xf32>
        %get3A_1191 = arith.index_cast %add3A_1169 : i32 to index
        %get3A_1192 = arith.constant 48 : index
        %get3A_1193 = tpu.vector_load %arg8[%get3A_1191, %get3A_1192] {strides = array<i32>} : memref<80x128xf32, #tpu.memory_space<vmem>>, vector<16xf32>,
        %get3A_1194 = arith.index_cast %add3A_1169 : i32 to index
        %get3A_1195 = arith.constant 48 : index
        %get3A_1196 = tpu.vector_load %arg9[%get3A_1194, %get3A_1195] {strides = array<i32>} : memref<80x128xf32, #tpu.memory_space<vmem>>, vector<16xf32>,
        %mul3A_1197 = arith.mulf %get3A_1193, %get3A_1196 : vector<16xf32>
        %get3A_1198 = arith.index_cast %add3A_1169 : i32 to index
        %get3A_1199 = arith.constant 64 : index
        %get3A_1200 = tpu.vector_load %arg8[%get3A_1198, %get3A_1199] {strides = array<i32>} : memref<80x128xf32, #tpu.memory_space<vmem>>, vector<16xf32>,
        %get3A_1201 = arith.index_cast %add3A_1169 : i32 to index
        %get3A_1202 = arith.constant 64 : index
        %get3A_1203 = tpu.vector_load %arg9[%get3A_1201, %get3A_1202] {strides = array<i32>} : memref<80x128xf32, #tpu.memory_space<vmem>>, vector<16xf32>,
        %mul3A_1204 = arith.mulf %get3A_1200, %get3A_1203 : vector<16xf32>
        %get3A_1205 = arith.index_cast %add3A_1169 : i32 to index
        %get3A_1206 = arith.constant 80 : index
        %get3A_1207 = tpu.vector_load %arg8[%get3A_1205, %get3A_1206] {strides = array<i32>} : memref<80x128xf32, #tpu.memory_space<vmem>>, vector<16xf32>,
        %get3A_1208 = arith.index_cast %add3A_1169 : i32 to index
        %get3A_1209 = arith.constant 80 : index
        %get3A_1210 = tpu.vector_load %arg9[%get3A_1208, %get3A_1209] {strides = array<i32>} : memref<80x128xf32, #tpu.memory_space<vmem>>, vector<16xf32>,
        %mul3A_1211 = arith.mulf %get3A_1207, %get3A_1210 : vector<16xf32>
        %get3A_1212 = arith.index_cast %add3A_1169 : i32 to index
        %get3A_1213 = arith.constant 96 : index
        %get3A_1214 = tpu.vector_load %arg8[%get3A_1212, %get3A_1213] {strides = array<i32>} : memref<80x128xf32, #tpu.memory_space<vmem>>, vector<16xf32>,
        %get3A_1215 = arith.index_cast %add3A_1169 : i32 to index
        %get3A_1216 = arith.constant 96 : index
        %get3A_1217 = tpu.vector_load %arg9[%get3A_1215, %get3A_1216] {strides = array<i32>} : memref<80x128xf32, #tpu.memory_space<vmem>>, vector<16xf32>,
        %mul3A_1218 = arith.mulf %get3A_1214, %get3A_1217 : vector<16xf32>
        %get3A_1219 = arith.index_cast %add3A_1169 : i32 to index
        %get3A_1220 = arith.constant 112 : index
        %get3A_1221 = tpu.vector_load %arg8[%get3A_1219, %get3A_1220] {strides = array<i32>} : memref<80x128xf32, #tpu.memory_space<vmem>>, vector<16xf32>,
        %get3A_1222 = arith.index_cast %add3A_1169 : i32 to index
        %get3A_1223 = arith.constant 112 : index
        %get3A_1224 = tpu.vector_load %arg9[%get3A_1222, %get3A_1223] {strides = array<i32>} : memref<80x128xf32, #tpu.memory_space<vmem>>, vector<16xf32>,
        %mul3A_1225 = arith.mulf %get3A_1221, %get3A_1224 : vector<16xf32>
        %add3A_1226 = arith.addf %mul3A_1176, %mul3A_1183 : vector<16xf32>
        %add3A_1227 = arith.addf %mul3A_1190, %mul3A_1197 : vector<16xf32>
        %add3A_1228 = arith.addf %mul3A_1204, %mul3A_1211 : vector<16xf32>
        %add3A_1229 = arith.addf %mul3A_1218, %mul3A_1225 : vector<16xf32>
        %add3A_1230 = arith.addf %add3A_1226, %add3A_1227 : vector<16xf32>
        %add3A_1231 = arith.addf %add3A_1228, %add3A_1229 : vector<16xf32>
        %add3A_1232 = arith.addf %add3A_1230, %add3A_1231 : vector<16xf32>
        %reduce_sum3A_1233 = arith.constant true
        %reduce_sum3A_1234 = vector.broadcast %reduce_sum3A_1233 : i1 to vector<16xi1>
        %reduce_sum3A_1235 = tpu.scan <sum>, %add3A_1232 masked %reduce_sum3A_1234 : vector<16xf32>, vector<16xi1> -> vector<16xf32>
        %reduce_sum3A_1236 = vector.extract %reduce_sum3A_1235[15] : f32 from vector<16xf32>
        %eq3A_1237 = arith.constant 15 : i32
        %eq3A_1238 = vector.broadcast %eq3A_1237 : i32 to vector<16xi32>
        %eq3A_1239 = arith.cmpi eq, %iota3A, %eq3A_1238 : vector<16xi32>
        %broadcast_in_dim3A_1240 = vector.broadcast %reduce_sum3A_1236 : f32 to vector<16xf32>
        %select_n3A_1241 = arith.select %eq3A_1239, %broadcast_in_dim3A_1240, %select_n3A_1165 : vector<16xi1>, vector<16xf32>
        %neg3A = arith.constant 0.000000e+00 : f32
        %neg3A_1242 = vector.broadcast %neg3A : f32 to vector<16xf32>
        %neg3A_1243 = arith.subf %neg3A_1242, %select_n3A_1241 : vector<16xf32>
        %exp3A = math.exp %neg3A_1243 : vector<16xf32>
        %add3A_1244 = arith.constant 1.000000e+00 : f32
        %add3A_1245 = vector.broadcast %add3A_1244 : f32 to vector<16xf32>
        %add3A_1246 = arith.addf %add3A_1245, %exp3A : vector<16xf32>
        %div3A = arith.constant 1.000000e+00 : f32
        %div3A_1247 = vector.broadcast %div3A : f32 to vector<16xf32>
        %div3A_1248 = arith.divf %div3A_1247, %add3A_1246 : vector<16xf32>
        %mul3A_1249 = arith.constant 16 : i32
        %mul3A_1250 = arith.muli %scan3A_28, %mul3A_1249 : i32
        %swap3A = arith.index_cast %mul3A_1250 : i32 to index
        %swap3A_1251 = tpu.vector_load %arg10[%swap3A] {strides = array<i32>} : memref<80xf32, #tpu.memory_space<vmem>>, vector<16xf32>,
        tpu.vector_store %arg10[%swap3A], %div3A_1248 {strides = array<i32>} : memref<80xf32, #tpu.memory_space<vmem>>, vector<16xf32>,
      }
      %scan3A_27 = arith.constant 5 : i32
      "tpu.region"() ({
        %run_scoped3A = tpu.sem_alloc : memref<!tpu.dma_semaphore, #tpu.memory_space<semaphore_mem>>
        %dma_start3A_28 = tpu.memref_slice %arg5[%add3A_11] : memref<320000xf32, #tpu.memory_space<hbm>> -> memref<80xf32, #tpu.memory_space<hbm>>
        %dma_start3A_29 = tpu.memref_slice %arg5[%add3A_11] : memref<320000xf32, #tpu.memory_space<hbm>> -> memref<80xf32, #tpu.memory_space<hbm>>
        tpu.enqueue_dma source(%arg10 : memref<80xf32, #tpu.memory_space<vmem>>) target(%dma_start3A_29 : memref<80xf32, #tpu.memory_space<hbm>>) target_semaphore(%run_scoped3A : memref<!tpu.dma_semaphore, #tpu.memory_space<semaphore_mem>>)
        %dma_wait3A_30 = tpu.memref_slice %arg5[%add3A_11] : memref<320000xf32, #tpu.memory_space<hbm>> -> memref<80xf32, #tpu.memory_space<hbm>>
        %dma_wait3A_31 = tpu.memref_slice %arg5[%add3A_11] : memref<320000xf32, #tpu.memory_space<hbm>> -> memref<80xf32, #tpu.memory_space<hbm>>
        tpu.wait_dma2 semaphore(%run_scoped3A : memref<!tpu.dma_semaphore, #tpu.memory_space<semaphore_mem>>) src(%arg10 : memref<80xf32, #tpu.memory_space<vmem>>) dst(%dma_wait3A_31 : memref<80xf32, #tpu.memory_space<hbm>>)
        tpu.yield
      }) : () -> ()
    }
    %scan3A_7 = arith.constant 125 : i32
    return
  }
}

</mosaic_0001>

<sc_bundles>
// kernel: kernel.3.cloned.1.call-start
scs
__scs_entry_jumppad:
0x0: {  	(pc) =	sbr.rel $0x88, $3  }
0x1: {  	(tag) =	ssettag $0x0;
	lr =	simm.s32 $0x1  }
0x2: {  	[smem:$0x3F9F] =	sst lr;
	_ =	strace $0xD0000000  }
0x3: {  	_ = 	snop  }
0x4: {  	_ = 	snop  }
0x5: {  	_ = 	snop  }
0x6: {  	_ = 	snop  }
0x7: {  	_ = 	snop  }
__scs_overlays_trampoline_lowered:
0x8: {  	[smem:$0x3FAE] =	sst s0  }
0x9: {  	[smem:$0x3FAF] =	sst s1  }
0xa: {  	[smem:$0x3FB0] =	sst s2  }
0xb: {  	[smem:$0x3FB1] =	sst s3  }
0xc: {  	[smem:$0x3FB2] =	sst s4  }
0xd: {  	[smem:$0x3FB3] =	sst s5  }
0xe: {  	[smem:$0x3FB4] =	sst s6  }
0xf: {  	[smem:$0x3FB5] =	sst s7  }
0x10: {  	[smem:$0x3FB6] =	sst s8  }
0x11: {  	[smem:$0x3FB7] =	sst s9;
	s0 =	simm.s32 @!p0 $0x0  }
0x12: {  	s1 =	sld [smem:$0x3F9D];
	s0 =	simm.s32 @p0 $0x1  }
0x13: {  	[smem:$0x3FB8] =	sst s0;
	s0 =	simm.s32 @!p1 $0x0  }
0x14: {  	s2 =	sld [smem:$0x3F9C];
	s0 =	simm.s32 @p1 $0x1  }
0x15: {  	[smem:$0x3FB9] =	sst s0;
	s0 =	simm.s32 @!p2 $0x0  }
0x16: {  	s3 =	sld [smem:$0x3FDB];
	s0 =	simm.s32 @p2 $0x1  }
0x17: {  	s4 =	simm.s32 $0x1BF5;
	[smem:$0x3FBB] =	sst s0  }
0x18: {  	s0 =	sld [smem:$0x3F9E];
	_ =	swait.ge [sflag:s4], $0x0  }
0x19: {  	s7 =	sld [smem:$0x3F9F]  }
0x1a: {  	s8 =	sadd.s32 $0xFFFFE003, lr  }
0x1b: {  	s9 =	sadd.s32 $0xFFFFFEF7, lr;
	s5 =	simm.s32 $0xFFFFFFFF;
	p2 =	slt.u32 s8, $0xFFFFF086  }
0x1c: {  	p1 =	slt.u32 s9, $0xF7A;
	s5 =	simm.s32 @!p2 $0x0  }
0x1d: {  	s5 =	simm.s32 @p1 $0x1;
	p0 =	seq.s32 s7, s2  }
0x1e: {  	s7 =	smul.u32 @!p0 $0xF7A, s2;
	p2 =	seq.s32 @!p0 s5, $0x0  }
0x1f: {  	s9 =	smul.u32 $0xF7A, s1;
	s8 =	simm.s32 @!p0 $0x1BF5;
	p2 =	por !p2, p0  }
0x20: {  	[sflag:s8] =	ssyncset.s32 @!p0 $0xFFFFF086;
	s6 =	sadd.s32 @!p0 s3, s7;
	s7 =	simm.s32 @!p0 $0x108  }
0x21: {  	s3 =	sadd.s32 s3, s9;
	s6 =	sadd.s32 @!p0 $0x88, s6;
	s7 =	simm.s32 @p2 $0x1082  }
0x22: {  	[simem:s7], [sflag:s8] =	dma.local @!p0 [hbm:s6], $0xF7A  }
0x23: {  	s9 =	sor.u32 $0xD0000000, s2;
	s6 =	simm.s32 $0x108;
	_ =	swait.ge @!p0 [sflag:s8], $0x0  }
0x24: {  	s3 =	sadd.s32 $0x88, s3;
	s6 =	simm.s32 @!p1 $0x1082;
	[sflag:s4] =	ssyncset.s32 $0xFFFFF086  }
0x25: {  	[simem:s6], [sflag:s4] =	dma.local [hbm:s3], $0xF7A  }
0x26: {  	[smem:$0x3F9F] =	sst s1;
	(tag) =	ssettag s2;
	_ =	strace s9  }
0x27: {  	s1 =	sld [smem:$0x3FAF]  }
0x28: {  	s2 =	sld [smem:$0x3FB0]  }
0x29: {  	s4 =	sld [smem:$0x3FB2]  }
0x2a: {  	p0 =	seq.s32 s5, $0x0;
	s5 =	sld [smem:$0x3FB3]  }
0x2b: {  	s6 =	sld [smem:$0x3FB4]  }
0x2c: {  	s7 =	sld [smem:$0x3FB5]  }
0x2d: {  	s3 =	simm.s32 $0x108;
	s8 =	sld [smem:$0x3FB6]  }
0x2e: {  	s3 =	simm.s32 @!p0 $0x1082;
	s9 =	sld [smem:$0x3FB7]  }
0x2f: {  	lr =	sadd.s32 s0, s3;
	s0 =	sld [smem:$0x3FAE]  }
0x30: {  	s3 =	sld [smem:$0x3FB1]  }
0x31: {  	[smem:$0x3FBA] =	sst s10  }
0x32: {  	s10 =	sld [smem:$0x3FB8];
	_ =	sdelay $0x3  }
0x33: {  	p0 =	seq.s32 s10, $0x1;
	s10 =	sld [smem:$0x3FBA];
	_ =	sdelay $0x3  }
0x34: {  	[smem:$0x3FBA] =	sst s10  }
0x35: {  	s10 =	sld [smem:$0x3FB9];
	_ =	sdelay $0x3  }
0x36: {  	p1 =	seq.s32 s10, $0x1;
	s10 =	sld [smem:$0x3FBA];
	_ =	sdelay $0x3  }
0x37: {  	[smem:$0x3FBA] =	sst s10  }
0x38: {  	s10 =	sld [smem:$0x3FBB]  }
0x39: {  	_ = 	snop;
	(pc) =	sbr.ind lr, $3  }
0x3a: {  	_ = 	snop  }
0x3b: {  	_ = 	snop  }
0x3c: {  	p2 =	seq.s32 s10, $0x1;
	s10 =	sld [smem:$0x3FBA]  }
0x3d: {  	_ =	shalt  }
0x3e: {  	_ =	shalt  }
0x3f: {  	_ =	shalt  }
0x40: {  	_ =	shalt  }
0x41: {  	_ =	shalt  }
0x42: {  	_ =	shalt  }
0x43: {  	_ =	shalt  }
0x44: {  	_ =	shalt  }
0x45: {  	_ =	shalt  }
0x46: {  	_ =	shalt  }
0x47: {  	_ =	shalt  }
0x48: {  	_ =	shalt  }
0x49: {  	_ =	shalt  }
0x4a: {  	_ =	shalt  }
0x4b: {  	_ =	shalt  }
0x4c: {  	_ =	shalt  }
0x4d: {  	_ =	shalt  }
0x4e: {  	_ =	shalt  }
0x4f: {  	_ =	shalt  }
0x50: {  	_ =	shalt  }
0x51: {  	_ =	shalt  }
0x52: {  	_ =	shalt  }
0x53: {  	_ =	shalt  }
0x54: {  	_ =	shalt  }
0x55: {  	_ =	shalt  }
0x56: {  	_ =	shalt  }
0x57: {  	_ =	shalt  }
0x58: {  	_ =	shalt  }
0x59: {  	_ =	shalt  }
0x5a: {  	_ =	shalt  }
0x5b: {  	_ =	shalt  }
0x5c: {  	_ =	shalt  }
0x5d: {  	_ =	shalt  }
0x5e: {  	_ =	shalt  }
0x5f: {  	_ =	shalt  }
0x60: {  	_ =	shalt  }
0x61: {  	_ =	shalt  }
0x62: {  	_ =	shalt  }
0x63: {  	_ =	shalt  }
0x64: {  	_ =	shalt  }
0x65: {  	_ =	shalt  }
0x66: {  	_ =	shalt  }
0x67: {  	_ =	shalt  }
0x68: {  	_ =	shalt  }
0x69: {  	_ =	shalt  }
0x6a: {  	_ =	shalt  }
0x6b: {  	_ =	shalt  }
0x6c: {  	_ =	shalt  }
0x6d: {  	_ =	shalt  }
0x6e: {  	_ =	shalt  }
0x6f: {  	_ =	shalt  }
0x70: {  	_ =	shalt  }
0x71: {  	_ =	shalt  }
0x72: {  	_ =	shalt  }
0x73: {  	_ =	shalt  }
0x74: {  	_ =	shalt  }
0x75: {  	_ =	shalt  }
0x76: {  	_ =	shalt  }
0x77: {  	_ =	shalt  }
0x78: {  	_ =	shalt  }
0x79: {  	_ =	shalt  }
0x7a: {  	_ =	shalt  }
0x7b: {  	_ =	shalt  }
0x7c: {  	_ =	shalt  }
0x7d: {  	_ =	shalt  }
0x7e: {  	_ =	shalt  }
0x7f: {  	_ =	shalt  }
0x80: {  	_ =	shalt  }
0x81: {  	_ =	shalt  }
0x82: {  	_ =	shalt  }
0x83: {  	_ =	shalt  }
0x84: {  	_ =	shalt  }
0x85: {  	_ =	shalt  }
0x86: {  	_ =	shalt  }
0x87: {  	_ =	shalt  }
.Lfunc_end0:
.L_simem_size_0:
called_computation_lowered:
.L_overlay_start_0:
0x88: {  	s2 =	sld [smem:$0x3FD9]  }
0x89: {  	s3 =	sld [smem:$0x3FFE];
	_ =	sdelay $0x1  }
0x8a: {  	s1 =	srdreg.scid  }
0x8b: {  	s0 =	sand.u32 $0x1, s1  }
0x8c: {  	s17 =	sshll.u32 s0, $0xA;
	s2 =	sadd.s32 s3, s2  }
0x8d: {  	s2 =	sadd.s32 s2, s17  }
0x8e: {  	[smem:$0x3FC6] =	sst s2  }
0x8f: {  	_ = 	snop  }
0x90: {  	s2 =	sld [smem:$0x3FC9]  }
0x91: {  	s18 =	sld [smem:$0x3FD0];
	(tm) =	ssettm $0x1  }
0x92: {  	s4 =	sld [smem:$0x3FFB];
	_ =	sdelay $0x3  }
0x93: {  	_ =	strace s4  }
0x94: {  	s4 =	sld [smem:$0x3FFC];
	_ =	sdelay $0x3  }
0x95: {  	_ =	strace s4  }
0x96: {  	s4 =	sld [smem:$0x3FFD];
	_ =	sdelay $0x3  }
0x97: {  	_ =	strace s4  }
0x98: {  	_ =	strace $0x8FFFFFFF  }
0x99: {  	s19 =	sld [smem:$0x3FDB];
	_ =	sdelay $0x1  }
0x9a: {  	s5 =	simm.s32 $_scs_section_size  }
0x9b: {  	s6 =	simm.s32 $_size__tile_overlayer_lowered;
	s7 =	simm.s32 $_tile_overlayer_lowered  }
0x9c: {  	s22 =	simm.s32 $0x1BFF;
	s21 =	sshll.u32 s7, $0x1;
	s4 =	sadd.s32 s5, s19  }
0x9d: {  	s8 =	simm.s32 $0x0;
	s20 =	sshll.u32 s6, $0x1;
	s6 =	sadd.s32 s21, s4  }
0x9e: {  	[timem:s8], [sflag:s22] =	dma.local [hbm:s6], s20  }
0x9f: {  	_ =	swait.ge [sflag:s22], s20  }
0xa0: {  	s5 =	ssub.s32 $0x0, s20;
	[sflag:s22] =	ssyncset.done $0x0  }
0xa1: {  	[sflag:s22] =	ssyncadd.s32 s5;
	_ =	sdelay $0x1  }
0xa2: {  	s23 =	simm.s32 $0x1B8B  }
0xa3: {  	_ =	swait.ge [sflag:s23], $0x1  }
0xa4: {  	[sflag:s23] =	ssyncset.done $0x0  }
0xa5: {  	s25 =	simm.s32 $0x1B8E;
	s24 =	sld [smem:$0x3FFE];
	[sflag:s23] =	ssyncadd.s32 $0xFFFFFFFF  }
0xa6: {  	s26 =	simm.s32 $execute0_lowered;
	[smem:$0x3FD2] =	sst s25  }
0xa7: {  	s6 =	sshll.u32 s26, $0x1;
	_ =	strace $0x80000046;
	[dreg:$0x1] =	wrdreg $0xFFFFFFFF  }
0xa8: {  	s28 =	simm.s32 $_size_execute0_lowered;
	s4 =	sadd.s32 s4, s6;
	[dreg:$0x0] =	wrdreg $0x0  }
0xa9: {  	s6 =	sshll.u32 s28, $0x1;
	[dreg:$0x2] =	wrdreg s4  }
0xaa: {  	[dreg:$0x3] =	wrdreg s6  }
0xab: {  	[dreg:$0x4] =	wrdreg $0xC0  }
0xac: {  	_ =	task [dreg:s8], $0x5FFFF  }
0xad: {  	[dreg:$0x1] =	wrdreg $0xFFFFFFFF  }
0xae: {  	[dreg:$0x0] =	wrdreg $0x60  }
0xaf: {  	[dreg:$0x2] =	wrdreg s2  }
0xb0: {  	[dreg:$0x3] =	wrdreg s24  }
0xb1: {  	[dreg:$0x4] =	wrdreg s18  }
0xb2: {  	[dreg:$0x5] =	wrdreg $0x9  }
0xb3: {  	_ =	task.clear_ibuf [dreg:s8], $0x6FFFF;
	_ =	strace $0x90000046  }
0xb4: {  	s29 =	simm.s32 $0x9;
	_ =	strace $0x80000048  }
0xb5: {  	_ =	swait.ge [sflag:s29], $0x1  }
0xb6: {  	[sflag:s29] =	ssyncadd.s32 $0xFFFFFFFF  }
0xb7: {  	_ =	strace $0x90000048  }
0xb8: {  	_ =	sfence  }
0xb9: {  	s30 =	sld [smem:$0x0];
	_ =	sdelay $0x2  }
0xba: {  	s31 =	sshll.u32 s1, $0xD;
	s1 =	sshrl.u32 s1, $0x2  }
0xbb: {  	s3 =	sand.u32 $0x4000, s31;
	s1 =	sadd.s32 s1, s30  }
0xbc: {  	s0 =	sor.u32 s3, s0;
	s1 =	sshll.u32 s1, $0x11  }
0xbd: {  	s0 =	sor.u32 s1, s0  }
0xbe: {  	s0 =	sadd.s32 $0x8F2B, s0  }
0xbf: {  	[sflag:s0] =	ssyncadd.remote.s32 $0x1  }
0xc0: {  	_ =	sfence.sel $0xFFFF  }
0xc1: {  	[dreg:$0x0] =	wrdreg $0xFFFFFFFF;
	(pc) =	sbr.abs _section_cstart, $3  }
0xc2: {  	[dreg:$0x1] =	wrdreg $0xFFFFFFFF  }
0xc3: {  	_ =	task.clear_ibuf [dreg:s8], $0x2FFFF;
	_ =	strace $0x9FFFFFFF  }
0xc4: {  	(tm) =	ssettm $0x7FFFFFFF  }
0xc5: {  	_ =	shalt  }
tec
execute0_lowered:
.L_overlay_start_1:
0x0: {  	(tag) =	ssettag $0x1  }
0x1: {  	s1 =	rddreg [dreg:$0x0]  }
0x2: {  	s2 =	rddreg [dreg:$0x1]  }
0x3: {  	s3 =	rddreg [dreg:$0x2]  }
0x4: {  	s4 =	srdreg.scid;
	s0 =	rddreg [dreg:$0x3];
	s5 =	simm.s32 $0x0  }
0x5: {  	s10 =	simm.s32 $0x80;
	s11 =	simm.s32 $0x50;
	s12 =	simm.s32 $0x100  }
0x6: {  	s13 =	simm.s32 $0x2900;
	s14 =	simm.s32 $0x1;
	s15 =	simm.s32 $0x2  }
0x7: {  	vm0 =	vmmov $0x1;
	vm1 =	vmmov $0x3;
	vm2 =	vmmov $0x7;
	s16 =	simm.s32 $0x5100;
	s17 =	simm.s32 $0x0;
	s6 =	sand.u32 $0x1, s4  }
0x8: {  	vm3 =	vmmov $0xf;
	vm4 =	vmmov $0x1f;
	vm5 =	vmmov $0x3f;
	s4 =	stileid.u32;
	[smem:$0x7FF] =	sst s5;
	s7 =	ssub.s32 $0x2, s6  }
0x9: {  	vm6 =	vmmov $0x7f;
	vm7 =	vmmov $0xff;
	vm8 =	vmmov $0x1ff;
	s9 =	sshll.u32 s4, $0x1;
	_ =	strace $0x80000047;
	s8 =	sshrl.u32 s7, $0x1  }
0xa: {  	vm9 =	vmmov $0x3ff;
	vm10 =	vmmov $0x7ff;
	vm11 =	vmmov $0xfff;
	s31 =	sor.u32 s6, s9;
	s6 =	sadd.s32 $0x9E00, s2;
	s8 =	ssub.s32 s7, s8  }
0xb: {  	vm12 =	vmmov $0x1fff;
	vm13 =	vmmov $0x3fff;
	vm14 =	vmmov $0x7fff;
	s9 =	simm.s32 $0x3;
	s7 =	smul.u32 $0x2710, s31;
	s8 =	smax.u32 s8, $0x1  }
.LBB2_1:
0xc: {  	s18 =	simm.s32 $0x0  }
.LBB2_2:
0xd: {  	s19 =	smul.u32 $0x50, s18;
	_ =	sdelay $0x1  }
0xe: {  	s19 =	sadd.s32 s7, s19  }
0xf: {  	s19 =	sshrl.u32 s19, $0x3  }
0x10: {  	s20 =	simm.s32 $0x0;
	s21 =	sadd.s32 s6, s19  }
0x11: {  	[tilespmem:s20], [sflag:$0x3] =	stream.linear.gather [hbm4b:s21+s20], $0x50, $0x38;
	[tilespmem:$0x5180] =	vst v63  }
0x12: {  	_ =	swait.ge [sflag:s9], $0x50  }
0x13: {  	[sflag:s9] =	ssyncset.done $0x0  }
0x14: {  	s31 =	sadd.s32 s2, s19;
	[sflag:s9] =	ssyncadd.s32 $0xFFFFFFB0  }
0x15: {  	[tilespmem:s10], [sflag:$0x3] =	stream.linear.gather [hbm4b:s31+s20], $0x50, $0x38;
	[tilespmem:$0x5180] =	vst v63  }
0x16: {  	_ =	swait.ge [sflag:s9], $0x50  }
0x17: {  	[sflag:s9] =	ssyncset.done $0x0  }
0x18: {  	[sflag:s9] =	ssyncadd.s32 $0xFFFFFFB0  }
0x19: {  	[tilespmem:s12], [sflag:$0x1] =	stream.indirect.gather [hbm4b:s1+s11], $0x80, s20, s11, $0xb8;
	[tilespmem:$0x5180] =	vst v63  }
0x1a: {  	_ = 	snop  }
0x1b: {  	[tilespmem:s13], [sflag:$0x2] =	stream.indirect.gather [hbm4b:s1+s11], $0x80, s10, s11, $0xb8;
	[tilespmem:$0x5180] =	vst v63  }
0x1c: {  	_ =	swait.ge [sflag:s14], $0x2800  }
0x1d: {  	[sflag:s14] =	ssyncset.done $0x0  }
0x1e: {  	[sflag:s14] =	ssyncadd.s32 $0xFFFFD800  }
0x1f: {  	_ =	swait.ge [sflag:s15], $0x2800  }
0x20: {  	[sflag:s15] =	ssyncset.done $0x0  }
0x21: {  	s21 =	simm.s32 $0x0;
	[sflag:s15] =	ssyncadd.s32 $0xFFFFD800  }
0x22: {  	v62 =	vld [tilespmem:s21+$0x480];
	_ =	sdelay $0x4  }
0x23: {  	[tilespmem:$0x1FC90] =	vst v62;
	v62 =	vld [tilespmem:s21+$0x2C80];
	_ =	sdelay $0x4  }
0x24: {  	[tilespmem:$0x1FCA0] =	vst v62;
	v62 =	vld [tilespmem:s21+$0x490];
	_ =	sdelay $0x4  }
0x25: {  	[tilespmem:$0x1FCB0] =	vst v62;
	v62 =	vld [tilespmem:s21+$0x2C90];
	_ =	sdelay $0x4  }
0x26: {  	[tilespmem:$0x1FCC0] =	vst v62;
	v62 =	vld [tilespmem:s21+$0x4A0];
	_ =	sdelay $0x4  }
0x27: {  	[tilespmem:$0x1FCD0] =	vst v62;
	v62 =	vld [tilespmem:s21+$0x2CA0];
	_ =	sdelay $0x4  }
0x28: {  	[tilespmem:$0x1FCE0] =	vst v62;
	v62 =	vld [tilespmem:s21+$0x4B0];
	_ =	sdelay $0x4  }
0x29: {  	[tilespmem:$0x1FCF0] =	vst v62;
	v62 =	vld [tilespmem:s21+$0x2CB0];
	_ =	sdelay $0x4  }
0x2a: {  	[tilespmem:$0x1FD00] =	vst v62;
	v62 =	vld [tilespmem:s21+$0x4C0];
	_ =	sdelay $0x4  }
0x2b: {  	[tilespmem:$0x1F970] =	vst v62;
	v62 =	vld [tilespmem:s21+$0x2CC0];
	_ =	sdelay $0x4  }
0x2c: {  	[tilespmem:$0x1F980] =	vst v62;
	v62 =	vld [tilespmem:s21+$0x4D0];
	_ =	sdelay $0x4  }
0x2d: {  	[tilespmem:$0x1F990] =	vst v62;
	v62 =	vld [tilespmem:s21+$0x2CD0];
	_ =	sdelay $0x4  }
0x2e: {  	[tilespmem:$0x1F9A0] =	vst v62;
	v62 =	vld [tilespmem:s21+$0x4E0];
	_ =	sdelay $0x4  }
0x2f: {  	[tilespmem:$0x1F9B0] =	vst v62;
	v62 =	vld [tilespmem:s21+$0x400];
	_ =	sdelay $0x4  }
0x30: {  	[tilespmem:$0x1FD10] =	vst v62;
	v62 =	vld [tilespmem:s21+$0x2C00];
	_ =	sdelay $0x4  }
0x31: {  	[tilespmem:$0x1FD20] =	vst v62;
	v62 =	vld [tilespmem:s21+$0x410];
	_ =	sdelay $0x4  }
0x32: {  	[tilespmem:$0x1FD30] =	vst v62;
	v62 =	vld [tilespmem:s21+$0x2C10];
	_ =	sdelay $0x4  }
0x33: {  	[tilespmem:$0x1FD40] =	vst v62;
	v62 =	vld [tilespmem:s21+$0x420];
	_ =	sdelay $0x4  }
0x34: {  	[tilespmem:$0x1FD50] =	vst v62;
	v62 =	vld [tilespmem:s21+$0x2C20];
	_ =	sdelay $0x4  }
0x35: {  	[tilespmem:$0x1FD60] =	vst v62;
	v62 =	vld [tilespmem:s21+$0x430];
	_ =	sdelay $0x4  }
0x36: {  	[tilespmem:$0x1FD70] =	vst v62;
	v62 =	vld [tilespmem:s21+$0x2C30];
	_ =	sdelay $0x4  }
0x37: {  	[tilespmem:$0x1FD80] =	vst v62;
	v62 =	vld [tilespmem:s21+$0x440];
	_ =	sdelay $0x4  }
0x38: {  	[tilespmem:$0x1FD90] =	vst v62;
	v62 =	vld [tilespmem:s21+$0x2C40];
	_ =	sdelay $0x4  }
0x39: {  	[tilespmem:$0x1FDA0] =	vst v62;
	v62 =	vld [tilespmem:s21+$0x450];
	_ =	sdelay $0x4  }
0x3a: {  	[tilespmem:$0x1FDB0] =	vst v62;
	v62 =	vld [tilespmem:s21+$0x2C50];
	_ =	sdelay $0x4  }
0x3b: {  	[tilespmem:$0x1FDC0] =	vst v62;
	v62 =	vld [tilespmem:s21+$0x460];
	_ =	sdelay $0x4  }
0x3c: {  	[tilespmem:$0x1FDD0] =	vst v62;
	v62 =	vld [tilespmem:s21+$0x2C60];
	_ =	sdelay $0x4  }
0x3d: {  	[tilespmem:$0x1FDE0] =	vst v62;
	v62 =	vld [tilespmem:s21+$0x470];
	_ =	sdelay $0x4  }
0x3e: {  	[tilespmem:$0x1FDF0] =	vst v62;
	v62 =	vld [tilespmem:s21+$0x2C70];
	_ =	sdelay $0x4  }
0x3f: {  	[tilespmem:$0x1FE00] =	vst v62;
	v62 =	vld [tilespmem:s21+$0x380];
	_ =	sdelay $0x4  }
0x40: {  	[tilespmem:$0x1FE10] =	vst v62;
	v62 =	vld [tilespmem:s21+$0x2B80];
	_ =	sdelay $0x4  }
0x41: {  	[tilespmem:$0x1FE20] =	vst v62;
	v62 =	vld [tilespmem:s21+$0x390];
	_ =	sdelay $0x4  }
0x42: {  	[tilespmem:$0x1FE30] =	vst v62;
	v62 =	vld [tilespmem:s21+$0x2B90];
	_ =	sdelay $0x4  }
0x43: {  	[tilespmem:$0x1FE40] =	vst v62;
	v62 =	vld [tilespmem:s21+$0x3A0];
	_ =	sdelay $0x2  }
0x44: {  	v0 =	vld [tilespmem:s21+$0x880]  }
0x45: {  	v25 =	vld [tilespmem:s21+$0x800]  }
0x46: {  	[tilespmem:$0x1FE50] =	vst v62;
	v62 =	vld [tilespmem:s21+$0x2BA0]  }
0x47: {  	v12 =	vld [tilespmem:s21+$0x3000]  }
0x48: {  	v13 =	vld [tilespmem:s21+$0x810]  }
0x49: {  	v8 =	vld [tilespmem:s21+$0x3010]  }
0x4a: {  	v14 =	vld [tilespmem:s21+$0x820]  }
0x4b: {  	[tilespmem:$0x1FE60] =	vst v62;
	v62 =	vld [tilespmem:s21+$0x3B0]  }
0x4c: {  	v9 =	vld [tilespmem:s21+$0x3020]  }
0x4d: {  	v10 =	vld [tilespmem:s21+$0x830]  }
0x4e: {  	v4 =	vld [tilespmem:s21+$0x3030]  }
0x4f: {  	v11 =	vld [tilespmem:s21+$0x840]  }
0x50: {  	[tilespmem:$0x1FE70] =	vst v62;
	v62 =	vld [tilespmem:s21+$0x2BB0]  }
0x51: {  	v5 =	vld [tilespmem:s21+$0x3040]  }
0x52: {  	v6 =	vld [tilespmem:s21+$0x850]  }
0x53: {  	v3 =	vld [tilespmem:s21+$0x3050]  }
0x54: {  	v7 =	vld [tilespmem:s21+$0x860]  }
0x55: {  	[tilespmem:$0x1FE80] =	vst v62;
	v62 =	vld [tilespmem:s21+$0x3C0]  }
0x56: {  	v1 =	vld [tilespmem:s21+$0x3060]  }
0x57: {  	v2 =	vld [tilespmem:s21+$0x870]  }
0x58: {  	v23 =	vld [tilespmem:s21+$0x600]  }
0x59: {  	v15 =	vld [tilespmem:s21+$0x780]  }
0x5a: {  	[tilespmem:$0x1FE90] =	vst v62;
	v62 =	vld [tilespmem:s21+$0x2BC0]  }
0x5b: {  	v49 =	vld [tilespmem:s21+$0x700]  }
0x5c: {  	v24 =	vld [tilespmem:s21+$0x2F00]  }
0x5d: {  	[tilespmem:$0x1FAF0] =	vst v23;
	v23 =	vld [tilespmem:s21+$0x2E00]  }
0x5e: {  	v26 =	vld [tilespmem:s21+$0x710]  }
0x5f: {  	[tilespmem:$0x1FEA0] =	vst v62;
	v62 =	vld [tilespmem:s21+$0x3D0]  }
0x60: {  	v16 =	vld [tilespmem:s21+$0x2F10]  }
0x61: {  	v48 =	vld [tilespmem:s21+$0x720]  }
0x62: {  	[tilespmem:$0x1FB00] =	vst v23;
	v23 =	vld [tilespmem:s21+$0x610]  }
0x63: {  	v27 =	vld [tilespmem:s21+$0x2F20]  }
0x64: {  	[tilespmem:$0x1FEB0] =	vst v62;
	v62 =	vld [tilespmem:s21+$0x2BD0]  }
0x65: {  	v28 =	vld [tilespmem:s21+$0x730]  }
0x66: {  	v17 =	vld [tilespmem:s21+$0x2F30]  }
0x67: {  	[tilespmem:$0x1FB10] =	vst v23;
	v23 =	vld [tilespmem:s21+$0x2E10]  }
0x68: {  	v50 =	vld [tilespmem:s21+$0x740]  }
0x69: {  	[tilespmem:$0x1FEC0] =	vst v62;
	v62 =	vld [tilespmem:s21+$0x3E0]  }
0x6a: {  	v29 =	vld [tilespmem:s21+$0x2F40]  }
0x6b: {  	v30 =	vld [tilespmem:s21+$0x750]  }
0x6c: {  	[tilespmem:$0x1FB20] =	vst v23;
	v23 =	vld [tilespmem:s21+$0x620]  }
0x6d: {  	v18 =	vld [tilespmem:s21+$0x2F50]  }
0x6e: {  	[tilespmem:$0x1FED0] =	vst v62;
	v62 =	vld [tilespmem:s21+$0x2BE0]  }
0x6f: {  	v51 =	vld [tilespmem:s21+$0x760]  }
0x70: {  	v31 =	vld [tilespmem:s21+$0x2F60]  }
0x71: {  	[tilespmem:$0x1FB30] =	vst v23;
	v23 =	vld [tilespmem:s21+$0x2E20]  }
0x72: {  	v32 =	vld [tilespmem:s21+$0x770]  }
0x73: {  	[tilespmem:$0x1FEE0] =	vst v62;
	v62 =	vld [tilespmem:s21+$0x3F0]  }
0x74: {  	v19 =	vld [tilespmem:s21+$0x2F70]  }
0x75: {  	[tilespmem:$0x1FA10] =	vst v0;
	v0 =	vld [tilespmem:s21+$0x3080]  }
0x76: {  	[tilespmem:$0x1FB40] =	vst v23;
	v23 =	vld [tilespmem:s21+$0x630]  }
0x77: {  	v52 =	vld [tilespmem:s21+$0x680]  }
0x78: {  	[tilespmem:$0x1FEF0] =	vst v62;
	v62 =	vld [tilespmem:s21+$0x2BF0]  }
0x79: {  	v33 =	vld [tilespmem:s21+$0x2E80]  }
0x7a: {  	[tilespmem:$0x1FA20] =	vst v0;
	v0 =	vld [tilespmem:s21+$0x890]  }
0x7b: {  	[tilespmem:$0x1FB50] =	vst v23;
	v23 =	vld [tilespmem:s21+$0x2E30]  }
0x7c: {  	v34 =	vld [tilespmem:s21+$0x690]  }
0x7d: {  	[tilespmem:$0x1FF00] =	vst v62;
	v62 =	vld [tilespmem:s21+$0x300]  }
0x7e: {  	v20 =	vld [tilespmem:s21+$0x2E90]  }
0x7f: {  	[tilespmem:$0x1FA30] =	vst v0;
	v0 =	vld [tilespmem:s21+$0x3090]  }
0x80: {  	[tilespmem:$0x1FB60] =	vst v23;
	v23 =	vld [tilespmem:s21+$0x640]  }
0x81: {  	v53 =	vld [tilespmem:s21+$0x6A0]  }
0x82: {  	[tilespmem:$0x1FF10] =	vst v62;
	v62 =	vld [tilespmem:s21+$0x2B00]  }
0x83: {  	v35 =	vld [tilespmem:s21+$0x2EA0]  }
0x84: {  	[tilespmem:$0x1FA40] =	vst v0;
	v0 =	vld [tilespmem:s21+$0x8A0]  }
0x85: {  	[tilespmem:$0x1F920] =	vst v23;
	v23 =	vld [tilespmem:s21+$0x2E40]  }
0x86: {  	v36 =	vld [tilespmem:s21+$0x6B0]  }
0x87: {  	[tilespmem:$0x1FF20] =	vst v62;
	v62 =	vld [tilespmem:s21+$0x310]  }
0x88: {  	v21 =	vld [tilespmem:s21+$0x2EB0]  }
0x89: {  	[tilespmem:$0x1FFE0] =	vst v0;
	v0 =	vld [tilespmem:s21+$0x30A0]  }
0x8a: {  	[tilespmem:$0x1F930] =	vst v23;
	v23 =	vld [tilespmem:s21+$0x650]  }
0x8b: {  	v54 =	vld [tilespmem:s21+$0x6C0]  }
0x8c: {  	[tilespmem:$0x1FF30] =	vst v62;
	v62 =	vld [tilespmem:s21+$0x2B10]  }
0x8d: {  	v37 =	vld [tilespmem:s21+$0x2EC0]  }
0x8e: {  	[tilespmem:$0x1FFF0] =	vst v0;
	v0 =	vld [tilespmem:s21+$0x8B0]  }
0x8f: {  	[tilespmem:$0x1F940] =	vst v23;
	v23 =	vld [tilespmem:s21+$0x2E50]  }
0x90: {  	v38 =	vld [tilespmem:s21+$0x6D0]  }
0x91: {  	[tilespmem:$0x1FF40] =	vst v62;
	v62 =	vld [tilespmem:s21+$0x320]  }
0x92: {  	v22 =	vld [tilespmem:s21+$0x2ED0]  }
0x93: {  	[tilespmem:$0x1F870] =	vst v0;
	v0 =	vld [tilespmem:s21+$0x30B0]  }
0x94: {  	[tilespmem:$0x1F950] =	vst v23;
	v23 =	vld [tilespmem:s21+$0x660]  }
0x95: {  	[tilespmem:$0x1FA50] =	vst v15;
	v15 =	vld [tilespmem:s21+$0x2F80]  }
0x96: {  	[tilespmem:$0x1FF50] =	vst v62;
	v62 =	vld [tilespmem:s21+$0x2B20]  }
0x97: {  	v55 =	vld [tilespmem:s21+$0x6E0]  }
0x98: {  	[tilespmem:$0x1F880] =	vst v0;
	v0 =	vld [tilespmem:s21+$0x8C0]  }
0x99: {  	[tilespmem:$0x1F960] =	vst v23;
	v23 =	vld [tilespmem:s21+$0x580]  }
0x9a: {  	[tilespmem:$0x1FA60] =	vst v15;
	v15 =	vld [tilespmem:s21+$0x790]  }
0x9b: {  	[tilespmem:$0x1FF60] =	vst v62;
	v62 =	vld [tilespmem:s21+$0x330]  }
0x9c: {  	v39 =	vld [tilespmem:s21+$0x2EE0]  }
0x9d: {  	[tilespmem:$0x1F890] =	vst v0;
	v0 =	vld [tilespmem:s21+$0x30C0]  }
0x9e: {  	[tilespmem:$0x1FB70] =	vst v23;
	v23 =	vld [tilespmem:s21+$0x5A0]  }
0x9f: {  	[tilespmem:$0x1FA70] =	vst v15;
	v15 =	vld [tilespmem:s21+$0x2F90]  }
0xa0: {  	[tilespmem:$0x1FF70] =	vst v62;
	v62 =	vld [tilespmem:s21+$0x2B30]  }
0xa1: {  	v40 =	vld [tilespmem:s21+$0x6F0]  }
0xa2: {  	[tilespmem:$0x1F8A0] =	vst v0;
	v0 =	vld [tilespmem:s21+$0x8D0]  }
0xa3: {  	[tilespmem:$0x1FB80] =	vst v23;
	v23 =	vld [tilespmem:s21+$0x5C0]  }
0xa4: {  	[tilespmem:$0x1FA80] =	vst v15;
	v15 =	vld [tilespmem:s21+$0x7A0]  }
0xa5: {  	[tilespmem:$0x1FF80] =	vst v62;
	v62 =	vld [tilespmem:s21+$0x340]  }
0xa6: {  	v56 =	vld [tilespmem:s21+$0x2D80]  }
0xa7: {  	[tilespmem:$0x1F8B0] =	vst v0;
	v0 =	vld [tilespmem:s21+$0x30D0]  }
0xa8: {  	[tilespmem:$0x1FB90] =	vst v23;
	v23 =	vld [tilespmem:s21+$0x5E0]  }
0xa9: {  	[tilespmem:$0x1FA90] =	vst v15;
	v15 =	vld [tilespmem:s21+$0x2FA0]  }
0xaa: {  	[tilespmem:$0x1F9C0] =	vst v62;
	v62 =	vld [tilespmem:s21+$0x2B40]  }
0xab: {  	v57 =	vld [tilespmem:s21+$0x590]  }
0xac: {  	[tilespmem:$0x1F8C0] =	vst v0;
	v0 =	vld [tilespmem:s21+$0x3070]  }
0xad: {  	[tilespmem:$0x1FBB0] =	vst v23;
	v23 =	vld [tilespmem:s21+$0x5F0]  }
0xae: {  	[tilespmem:$0x1FAA0] =	vst v15;
	v15 =	vld [tilespmem:s21+$0x7B0]  }
0xaf: {  	[tilespmem:$0x1F9D0] =	vst v62;
	v62 =	vld [tilespmem:s21+$0x350]  }
0xb0: {  	v41 =	vld [tilespmem:s21+$0x2D90]  }
0xb1: {  	v0 =	vmul.f32 v0, v2;
	v2 =	vld [tilespmem:s21+$0x2A0]  }
0xb2: {  	[tilespmem:$0x1FBC0] =	vst v23;
	v23 =	vld [tilespmem:s21+$0x500]  }
0xb3: {  	v5 =	vmul.f32 v5, v11;
	v3 =	vmul.f32 v3, v6;
	[tilespmem:$0x1FAB0] =	vst v15;
	v15 =	vld [tilespmem:s21+$0x2FB0]  }
0xb4: {  	[tilespmem:$0x1F9E0] =	vst v62;
	v62 =	vld [tilespmem:s21+$0x2B50]  }
0xb5: {  	v3 =	vadd.f32 v3, v5;
	v5 =	vld [tilespmem:$0x1FA20]  }
0xb6: {  	[tilespmem:$0x1FFD0] =	vst v2;
	v2 =	vld [tilespmem:$0x1FA10]  }
0xb7: {  	[tilespmem:$0x1FBD0] =	vst v23;
	v23 =	vld [tilespmem:s21+$0x2D00]  }
0xb8: {  	[tilespmem:$0x1FAC0] =	vst v15;
	v15 =	vld [tilespmem:s21+$0x7C0]  }
0xb9: {  	[tilespmem:$0x1F9F0] =	vst v62;
	v62 =	vld [tilespmem:s21+$0x360]  }
0xba: {  	v1 =	vmul.f32 v1, v7;
	v7 =	vld [tilespmem:$0x1FA40]  }
0xbb: {  	v5 =	vmul.f32 v5, v2;
	v2 =	vld [tilespmem:$0x1FA30]  }
0xbc: {  	[tilespmem:$0x1FBE0] =	vst v23;
	v23 =	vld [tilespmem:s21+$0x510]  }
0xbd: {  	[tilespmem:$0x1F8D0] =	vst v15;
	v15 =	vld [tilespmem:s21+$0x2FC0]  }
0xbe: {  	[tilespmem:$0x1FA00] =	vst v62;
	v62 =	vld [tilespmem:s21+$0x280]  }
0xbf: {  	v58 =	vld [tilespmem:s21+$0x2DA0]  }
0xc0: {  	v4 =	vmul.f32 v4, v10;
	v10 =	vld [tilespmem:s21+$0x290]  }
0xc1: {  	v7 =	vmul.f32 v7, v2;
	[tilespmem:$0x1FBF0] =	vst v23;
	v23 =	vld [tilespmem:s21+$0x520]  }
0xc2: {  	[tilespmem:$0x1F8E0] =	vst v15;
	v15 =	vld [tilespmem:s21+$0x7D0]  }
0xc3: {  	[tilespmem:$0x1FF90] =	vst v62;
	v62 =	vadd.f32 v7, v5;
	v5 =	vld [tilespmem:$0x1FA90]  }
0xc4: {  	v7 =	vld [tilespmem:$0x1FAA0]  }
0xc5: {  	v8 =	vmul.f32 v8, v13;
	v13 =	vld [tilespmem:s21+$0x2A80]  }
0xc6: {  	[tilespmem:$0x1FC00] =	vst v23;
	v23 =	vld [tilespmem:s21+$0x2D20]  }
0xc7: {  	v6 =	vld [tilespmem:s21+$0x2A90]  }
0xc8: {  	[tilespmem:$0x1F8F0] =	vst v15;
	v15 =	vld [tilespmem:s21+$0x2FD0]  }
0xc9: {  	v9 =	vmul.f32 v9, v14;
	[tilespmem:$0x1FFB0] =	vst v10;
	v10 =	vmul.f32 v7, v5;
	v5 =	vld [tilespmem:$0x1FAB0]  }
0xca: {  	v12 =	vmul.f32 v12, v25;
	v7 =	vld [tilespmem:$0x1FAC0]  }
0xcb: {  	v4 =	vadd.f32 v4, v9;
	[tilespmem:$0x1FC10] =	vst v23;
	v23 =	vld [tilespmem:s21+$0x530]  }
0xcc: {  	v59 =	vld [tilespmem:s21+$0x5B0];
	v14 =	vmul.f32 v17, v28;
	[tilespmem:$0x1FFC0] =	vst v6;
	v6 =	vadd.f32 v8, v12;
	v1 =	vadd.f32 v0, v1  }
0xcd: {  	v42 =	vld [tilespmem:s21+$0x2DB0];
	v17 =	vmul.f32 v33, v52;
	v12 =	vmul.f32 v24, v49  }
0xce: {  	v60 =	vld [tilespmem:s21+$0x2DC0];
	[tilespmem:$0x1FFA0] =	vst v13;
	v13 =	vmul.f32 v16, v26;
	v4 =	vadd.f32 v4, v6;
	v6 =	vadd.f32 v1, v3  }
0xcf: {  	v16 =	vmul.f32 v19, v32;
	[tilespmem:$0x1F900] =	vst v15;
	v15 =	vld [tilespmem:s21+$0x7E0];
	v11 =	vmul.f32 v7, v5  }
0xd0: {  	v13 =	vadd.f32 v13, v12;
	v12 =	vmul.f32 v31, v51;
	[tilespmem:$0x1FC20] =	vst v23;
	v23 =	vld [tilespmem:s21+$0x540];
	v7 =	vadd.f32 v6, v4  }
0xd1: {  	v61 =	vld [tilespmem:s21+$0x5D0];
	v6 =	vadd.f32 v11, v10;
	v10 =	vmul.f32 v29, v50;
	v11 =	vmul.f32 v18, v30  }
0xd2: {  	v43 =	vld [tilespmem:s21+$0x2DD0];
	v22 =	vmul.f32 v22, v38;
	v19 =	vmul.f32 v35, v53  }
0xd3: {  	v63 =	vld [tilespmem:s21+$0x2DE0];
	v16 =	vadd.f32 v16, v12;
	v18 =	vmul.f32 v20, v34;
	v10 =	vadd.f32 v11, v10  }
0xd4: {  	[tilespmem:$0x1F910] =	vst v15;
	v15 =	vld [tilespmem:s21+$0x2EF0];
	v20 =	vmul.f32 v21, v36;
	v21 =	vmul.f32 v37, v54  }
0xd5: {  	[tilespmem:$0x1FC30] =	vst v23;
	v23 =	vld [tilespmem:s21+$0x2D40];
	v10 =	vadd.f32 v16, v10;
	v16 =	vadd.f32 v18, v17  }
0xd6: {  	v18 =	vadd.f32 v20, v19;
	v20 =	vadd.f32 v22, v21;
	v21 =	vld [tilespmem:$0x1FAF0]  }
0xd7: {  	v22 =	vld [tilespmem:$0x1FB00]  }
0xd8: {  	v8 =	vld [tilespmem:$0x1FA60]  }
0xd9: {  	v26 =	vmul.f32 v39, v55;
	v3 =	vld [tilespmem:$0x1FA50];
	v15 =	vmul.f32 v15, v40  }
0xda: {  	[tilespmem:$0x1FC40] =	vst v23;
	v23 =	vld [tilespmem:s21+$0x550]  }
0xdb: {  	v15 =	vadd.f32 v15, v26;
	v26 =	vld [tilespmem:$0x1FB20]  }
0xdc: {  	v21 =	vmul.f32 v22, v21;
	v22 =	vld [tilespmem:$0x1FB10]  }
0xdd: {  	v9 =	vld [tilespmem:$0x1FA80]  }
0xde: {  	v8 =	vmul.f32 v8, v3;
	v3 =	vld [tilespmem:$0x1FA70]  }
0xdf: {  	[tilespmem:$0x1FC50] =	vst v23;
	v23 =	vld [tilespmem:s21+$0x560]  }
0xe0: {  	v16 =	vadd.f32 v18, v16;
	v18 =	vld [tilespmem:$0x1FB30]  }
0xe1: {  	v22 =	vmul.f32 v26, v22;
	v26 =	vld [tilespmem:$0x1FB40]  }
0xe2: {  	v44 =	vld [tilespmem:s21+$0x2DF0]  }
0xe3: {  	v45 =	vld [tilespmem:s21+$0x2D10];
	v9 =	vmul.f32 v9, v3  }
0xe4: {  	[tilespmem:$0x1FC60] =	vst v23;
	v23 =	vld [tilespmem:s21+$0x2D60]  }
0xe5: {  	v5 =	vadd.f32 v9, v8;
	v9 =	vmul.f32 v27, v48;
	v27 =	vld [tilespmem:$0x1FB60]  }
0xe6: {  	v18 =	vmul.f32 v26, v18;
	v26 =	vld [tilespmem:$0x1FB50]  }
0xe7: {  	v46 =	vld [tilespmem:s21+$0x2D30]  }
0xe8: {  	v47 =	vld [tilespmem:s21+$0x2D50];
	v21 =	vadd.f32 v22, v21  }
0xe9: {  	[tilespmem:$0x1FC70] =	vst v23;
	v23 =	vld [tilespmem:s21+$0x570];
	v14 =	vadd.f32 v14, v9  }
0xea: {  	[tilespmem:$0x1FBA0] =	vst v21;
	v21 =	vld [tilespmem:$0x1FBB0]  }
0xeb: {  	v24 =	vadd.f32 v14, v13;
	v26 =	vmul.f32 v27, v26;
	v27 =	vld [tilespmem:$0x1FB70]  }
0xec: {  	v31 =	vld [tilespmem:$0x1FC40]  }
0xed: {  	v32 =	vadd.f32 v10, v24;
	v10 =	vld [tilespmem:$0x1FB80]  }
0xee: {  	[tilespmem:$0x1FC80] =	vst v23;
	v23 =	vld [tilespmem:s21+$0x2D70]  }
0xef: {  	v28 =	vmul.f32 v41, v57;
	v29 =	vld [tilespmem:$0x1FC10]  }
0xf0: {  	v21 =	vmul.f32 v63, v21;
	v63 =	vadd.f32 v26, v18;
	v18 =	vld [tilespmem:$0x1FBD0];
	v27 =	vmul.f32 v56, v27  }
0xf1: {  	v15 =	vadd.f32 v15, v20;
	v26 =	vld [tilespmem:$0x1FBE0]  }
0xf2: {  	v24 =	vmul.f32 v42, v59;
	v10 =	vmul.f32 v58, v10;
	v27 =	vadd.f32 v28, v27;
	v28 =	vld [tilespmem:$0x1FC00]  }
0xf3: {  	v36 =	vadd.f32 v15, v16;
	v15 =	vld [tilespmem:$0x1FB90]  }
0xf4: {  	v10 =	vadd.f32 v24, v10;
	v24 =	vld [tilespmem:$0x1FC30]  }
0xf5: {  	v22 =	vld [tilespmem:$0x1FBC0]  }
0xf6: {  	v18 =	vmul.f32 v26, v18;
	v26 =	vld [tilespmem:$0x1FBF0]  }
0xf7: {  	v28 =	vmul.f32 v29, v28;
	v29 =	vld [tilespmem:$0x1FC20]  }
0xf8: {  	v59 =	vld [tilespmem:$0x1FC80];
	v16 =	vmul.f32 v43, v61;
	v15 =	vmul.f32 v60, v15  }
0xf9: {  	v58 =	vld [tilespmem:$0x1FC70]  }
0xfa: {  	v15 =	vadd.f32 v16, v15;
	v16 =	vld [tilespmem:$0x1FC60]  }
0xfb: {  	v24 =	vmul.f32 v31, v24;
	v31 =	vld [tilespmem:$0x1FC50];
	v22 =	vmul.f32 v44, v22  }
0xfc: {  	v26 =	vmul.f32 v45, v26;
	v29 =	vmul.f32 v46, v29  }
0xfd: {  	v21 =	vadd.f32 v22, v21  }
0xfe: {  	v18 =	vadd.f32 v26, v18;
	v22 =	vadd.f32 v29, v28  }
0xff: {  	v23 =	vmul.f32 v23, v59;
	v16 =	vmul.f32 v58, v16;
	v15 =	vadd.f32 v21, v15;
	v21 =	vld [tilespmem:$0x1FC90]  }
0x100: {  	v31 =	vmul.f32 v47, v31;
	v10 =	vadd.f32 v10, v27;
	v18 =	vadd.f32 v22, v18;
	v22 =	vld [tilespmem:$0x1FCA0]  }
0x101: {  	v16 =	vadd.f32 v23, v16  }
0x102: {  	v24 =	vadd.f32 v31, v24;
	v52 =	vadd.f32 v15, v10;
	v10 =	vld [tilespmem:$0x1FCD0]  }
0x103: {  	v15 =	vld [tilespmem:$0x1FCE0]  }
0x104: {  	v16 =	vadd.f32 v16, v24;
	v24 =	vld [tilespmem:$0x1FCC0]  }
0x105: {  	v21 =	vmul.f32 v22, v21;
	v22 =	vld [tilespmem:$0x1FCB0];
	_ =	sdelay $0x1  }
0x106: {  	v25 =	vld [tilespmem:s21+$0x2AA0]  }
0x107: {  	v10 =	vmul.f32 v15, v10;
	v15 =	vld [tilespmem:$0x1FCF0]  }
0x108: {  	v33 =	vadd.f32 v16, v18;
	v16 =	vld [tilespmem:$0x1FD10]  }
0x109: {  	v18 =	vld [tilespmem:$0x1FD20];
	v22 =	vmul.f32 v24, v22  }
0x10a: {  	v24 =	vld [tilespmem:$0x1FD00]  }
0x10b: {  	v43 =	vadd.f32 v22, v21;
	v21 =	vld [tilespmem:$0x1FD50]  }
0x10c: {  	v22 =	vld [tilespmem:$0x1FD60]  }
0x10d: {  	v41 =	vld [tilespmem:s21+$0x2A50]  }
0x10e: {  	v16 =	vmul.f32 v18, v16;
	v18 =	vld [tilespmem:$0x1FD30]  }
0x10f: {  	v15 =	vmul.f32 v24, v15;
	v24 =	vld [tilespmem:$0x1FD40]  }
0x110: {  	v38 =	vld [tilespmem:s21+$0x140]  }
0x111: {  	v21 =	vmul.f32 v22, v21;
	v22 =	vld [tilespmem:$0x1FD70]  }
0x112: {  	v34 =	vadd.f32 v15, v10;
	v10 =	vld [tilespmem:$0x1FD90]  }
0x113: {  	v15 =	vld [tilespmem:$0x1FDA0]  }
0x114: {  	v18 =	vmul.f32 v24, v18;
	v24 =	vld [tilespmem:$0x1FD80]  }
0x115: {  	v35 =	vld [tilespmem:s21+$0x2A30]  }
0x116: {  	v39 =	vld [tilespmem:s21+$0x2A40]  }
0x117: {  	v49 =	vld [tilespmem:s21+$0x110]  }
0x118: {  	v10 =	vmul.f32 v15, v10;
	v15 =	vld [tilespmem:$0x1FDB0]  }
0x119: {  	v22 =	vmul.f32 v24, v22;
	v24 =	vld [tilespmem:$0x1FDC0]  }
0x11a: {  	v53 =	vld [tilespmem:s21+$0x130]  }
0x11b: {  	v51 =	vld [tilespmem:s21+$0x2920]  }
0x11c: {  	v12 =	vld [tilespmem:s21+$0x200]  }
0x11d: {  	v16 =	vadd.f32 v18, v16;
	v18 =	vld [tilespmem:$0x1FDD0]  }
0x11e: {  	v15 =	vmul.f32 v24, v15;
	v24 =	vld [tilespmem:$0x1FDE0]  }
0x11f: {  	v0 =	vld [tilespmem:s21+$0x2B0]  }
0x120: {  	v1 =	vld [tilespmem:s21+$0x2C0]  }
0x121: {  	v40 =	vld [tilespmem:s21+$0x250]  }
0x122: {  	v26 =	vld [tilespmem:$0x1FE00]  }
0x123: {  	v18 =	vmul.f32 v24, v18;
	v24 =	vld [tilespmem:$0x1FDF0]  }
0x124: {  	v3 =	vld [tilespmem:s21+$0x2AC0]  }
0x125: {  	v2 =	vld [tilespmem:s21+$0x2AB0]  }
0x126: {  	v4 =	vld [tilespmem:s21+$0x2D0]  }
0x127: {  	v21 =	vadd.f32 v22, v21;
	v22 =	vld [tilespmem:$0x1FE10]  }
0x128: {  	v24 =	vmul.f32 v26, v24;
	v26 =	vld [tilespmem:$0x1FE20]  }
0x129: {  	v8 =	vld [tilespmem:s21+$0x2AE0]  }
0x12a: {  	v48 =	vld [tilespmem:s21+$0x2910]  }
0x12b: {  	[tilespmem:$0x1FAD0] =	vst v5;
	v5 =	vld [tilespmem:s21+$0x2AD0]  }
0x12c: {  	v27 =	vld [tilespmem:$0x1FE40]  }
0x12d: {  	v26 =	vmul.f32 v26, v22;
	v22 =	vld [tilespmem:$0x1FE30]  }
0x12e: {  	v9 =	vld [tilespmem:s21+$0x2F0]  }
0x12f: {  	v30 =	vld [tilespmem:s21+$0x2A20]  }
0x130: {  	v37 =	vld [tilespmem:s21+$0x240]  }
0x131: {  	v10 =	vadd.f32 v15, v10;
	v15 =	vld [tilespmem:$0x1FE50]  }
0x132: {  	v27 =	vmul.f32 v27, v22;
	v22 =	vld [tilespmem:$0x1FE60]  }
0x133: {  	v50 =	vld [tilespmem:s21+$0x120]  }
0x134: {  	v54 =	vld [tilespmem:s21+$0x2930]  }
0x135: {  	(xrf2) =	vadd.scan.msk.f32 $0xffff, v7;
	v7 =	vld [tilespmem:$0x1FFD0]  }
0x136: {  	v28 =	vld [tilespmem:$0x1FE80]  }
0x137: {  	v15 =	vmul.f32 v22, v15;
	v22 =	vld [tilespmem:$0x1FE70]  }
0x138: {  	[tilespmem:$0x1FAE0] =	vst v6;
	v6 =	vld [tilespmem:s21+$0x2E0]  }
0x139: {  	v11 =	vld [tilespmem:s21+$0x2AF0]  }
0x13a: {  	v13 =	vld [tilespmem:s21+$0x2A00]  }
0x13b: {  	v18 =	vadd.f32 v24, v18;
	v24 =	vld [tilespmem:$0x1FEA0]  }
0x13c: {  	v31 =	vmul.f32 v28, v22;
	v22 =	vld [tilespmem:$0x1FE90]  }
0x13d: {  	v14 =	vld [tilespmem:s21+$0x210]  }
0x13e: {  	v56 =	vadd.f32 v21, v16;
	v16 =	vld [tilespmem:$0x1FED0]  }
0x13f: {  	v21 =	vld [tilespmem:$0x1FEE0]  }
0x140: {  	v60 =	vld [tilespmem:$0x1FEC0]  }
0x141: {  	v24 =	vmul.f32 v24, v22;
	v22 =	vld [tilespmem:$0x1FEB0]  }
0x142: {  	v17 =	vld [tilespmem:s21+$0x2A10]  }
0x143: {  	v61 =	vld [tilespmem:$0x1FF00]  }
0x144: {  	v21 =	vmul.f32 v21, v16;
	v16 =	vld [tilespmem:$0x1FEF0];
	v10 =	vadd.f32 v18, v10  }
0x145: {  	v18 =	vadd.f32 v27, v26;
	v26 =	vadd.f32 v31, v15;
	v31 =	vld [tilespmem:$0x1FF10]  }
0x146: {  	v55 =	vmul.f32 v60, v22;
	v60 =	vld [tilespmem:$0x1FF20]  }
0x147: {  	v19 =	vld [tilespmem:s21+$0x220]  }
0x148: {  	v7 =	vmul.f32 v25, v7;
	v25 =	vld [tilespmem:s21+$0x2990]  }
0x149: {  	v4 =	vmul.f32 v5, v4;
	v5 =	vld [tilespmem:s21+$0x29B0]  }
0x14a: {  	v57 =	vmul.f32 v61, v16;
	v61 =	vld [tilespmem:$0x1FF40]  }
0x14b: {  	v24 =	vadd.f32 v55, v24;
	v55 =	vmul.f32 v60, v31;
	v31 =	vld [tilespmem:$0x1FF30]  }
0x14c: {  	v20 =	vld [tilespmem:s21+$0x230]  }
0x14d: {  	v42 =	vld [tilespmem:s21+$0x260]  }
0x14e: {  	v9 =	vmul.f32 v11, v9;
	v11 =	vmul.f32 v13, v12;
	v13 =	vld [tilespmem:s21+$0x29A0]  }
0x14f: {  	v60 =	vld [tilespmem:$0x1FF60]  }
0x150: {  	v0 =	vmul.f32 v2, v0;
	v27 =	vadd.f32 v57, v21;
	v57 =	vmul.f32 v61, v31;
	v31 =	vld [tilespmem:$0x1FF50]  }
0x151: {  	v6 =	vmul.f32 v8, v6;
	v8 =	vld [tilespmem:s21+$0x1B0]  }
0x152: {  	v0 =	vadd.f32 v0, v7;
	v7 =	vld [tilespmem:s21+$0x29C0]  }
0x153: {  	v1 =	vmul.f32 v3, v1;
	v12 =	vmul.f32 v17, v14;
	v9 =	vadd.f32 v9, v6;
	v6 =	vld [tilespmem:s21+$0x1C0]  }
0x154: {  	v17 =	vmul.f32 v30, v19;
	v19 =	vmul.f32 v35, v20;
	v61 =	vld [tilespmem:$0x1FF80]  }
0x155: {  	v1 =	vadd.f32 v4, v1;
	v30 =	vmul.f32 v41, v40;
	v58 =	vmul.f32 v60, v31;
	v31 =	vld [tilespmem:$0x1FF70]  }
0x156: {  	v20 =	vmul.f32 v39, v37;
	v12 =	vadd.f32 v12, v11;
	v11 =	vld [tilespmem:s21+$0x1D0];
	v17 =	vadd.f32 v19, v17  }
0x157: {  	v9 =	vadd.f32 v9, v1;
	v1 =	vld [tilespmem:$0x1FFE0]  }
0x158: {  	v19 =	vadd.f32 v30, v20;
	v20 =	vadd.f32 v17, v12;
	v17 =	vld [tilespmem:s21+$0x1E0]  }
0x159: {  	v60 =	vld [tilespmem:$0x1FFA0]  }
0x15a: {  	v59 =	vmul.f32 v61, v31;
	v31 =	vld [tilespmem:$0x1FF90]  }
0x15b: {  	v44 =	vld [tilespmem:s21+$0x2A60]  }
0x15c: {  	v23 =	vld [tilespmem:s21+$0x2900]  }
0x15d: {  	v47 =	vld [tilespmem:s21+$0x100]  }
0x15e: {  	v61 =	vld [tilespmem:$0x1FFC0]  }
0x15f: {  	v60 =	vmul.f32 v60, v31;
	v31 =	vld [tilespmem:$0x1FFB0]  }
0x160: {  	v45 =	vld [tilespmem:s21+$0x2A70]  }
0x161: {  	v46 =	vld [tilespmem:s21+$0x270]  }
0x162: {  	v29 =	vld [tilespmem:s21+$0x2940]  }
0x163: {  	v16 =	vld [tilespmem:s21+$0x160]  }
0x164: {  	v21 =	vld [tilespmem:s21+$0x170];
	v61 =	vmul.f32 v61, v31  }
0x165: {  	(xrf2) =	vadd.scan.msk.f32 $0xffff, v32;
	v28 =	vld [tilespmem:s21+$0x150]  }
0x166: {  	(xrf2) =	vadd.scan.msk.f32 $0xffff, v36;
	v4 =	vmul.f32 v44, v42;
	v15 =	vld [tilespmem:s21+$0x2960];
	v14 =	vadd.f32 v61, v60;
	v60 =	vmul.f32 v45, v46  }
0x167: {  	v18 =	vadd.f32 v26, v18;
	v26 =	vld [tilespmem:s21+$0x2970]  }
0x168: {  	v22 =	vld [tilespmem:s21+$0x2950];
	v4 =	vadd.f32 v60, v4  }
0x169: {  	v27 =	vadd.f32 v27, v24;
	v24 =	vld [tilespmem:s21+$0x180]  }
0x16a: {  	v61 =	vadd.f32 v4, v19;
	v4 =	vld [tilespmem:$0x1FFF0]  }
0x16b: {  	(xrf2) =	vadd.scan.msk.f32 $0xffff, v52;
	v56 =	vadd.f32 v10, v56;
	v10 =	vadd.f32 v27, v18;
	v27 =	vld [tilespmem:s21+$0x190]  }
0x16c: {  	v18 =	vld [tilespmem:s21+$0x1A0];
	v0 =	vadd.f32 v0, v14  }
0x16d: {  	v31 =	vld [tilespmem:s21+$0x2980]  }
0x16e: {  	v32 =	vmul.f32 v54, v53;
	v35, _, _ =	vpop (xrf2);
	v30 =	vmul.f32 v51, v50;
	v2 =	vadd.f32 v57, v55;
	v14 =	vld [tilespmem:s21+$0x29D0]  }
0x16f: {  	v36, _, _ =	vpop (xrf2);
	(xrf2) =	vadd.scan.msk.f32 $0xffff, v33;
	v3 =	vadd.f32 v59, v58;
	v12 =	vadd.f32 v9, v0;
	v19 =	vld [tilespmem:s21+$0x29E0];
	v1 =	vmul.f32 v4, v1  }
0x170: {  	s22 =	simm.s32 $0x1;
	(xrf2) =	vadd.scan.msk.f32 $0xffff, v56;
	v9 =	vadd.f32 v61, v20;
	v20 =	vld [tilespmem:s21+$0x1F0];
	v0, _, _ =	vpop (xrf2);
	v4 =	vmul.f32 v23, v47;
	v23 =	vmul.f32 v48, v49  }
.LBB2_3:
0x171: {  	v29 =	vmul.f32 v29, v38;
	v22 =	vmul.f32 v22, v28;
	v28 =	vld [tilespmem:s21+$0x29F0]  }
0x172: {  	v15 =	vmul.f32 v15, v16;
	v16 =	vmul.f32 v26, v21;
	v26 =	vld [tilespmem:s21+$0x2B60]  }
0x173: {  	v23 =	vadd.f32 v23, v4;
	v13 =	vmul.f32 v13, v18;
	v5 =	vmul.f32 v5, v8;
	v8 =	vld [tilespmem:s21+$0x2B70]  }
0x174: {  	(xrf2) =	vadd.scan.msk.f32 $0xffff, v10;
	v21 =	vadd.f32 v32, v30;
	v6 =	vmul.f32 v7, v6;
	v7 =	vmul.f32 v14, v11;
	v11 =	vld [tilespmem:s21+$0x2CE0]  }
0x175: {  	v4, _, _ =	vpop (xrf2);
	(xrf2) =	vadd.scan.msk.f32 $0xffff, v12;
	v12 =	vmul.f32 v19, v17;
	v19 =	vld [tilespmem:$0x1F9D0];
	v10 =	vadd.f32 v22, v29;
	v15 =	vadd.f32 v16, v15  }
0x176: {  	v22 =	vmul.f32 v31, v24;
	v24 =	vmul.f32 v25, v27;
	v25 =	vld [tilespmem:s21+$0x370];
	v16 =	vadd.f32 v21, v23  }
0x177: {  	v5 =	vadd.f32 v5, v13;
	v13 =	vld [tilespmem:$0x1F9C0];
	v10 =	vadd.f32 v15, v10  }
0x178: {  	v15 =	vld [tilespmem:s21+$0x4F0]  }
0x179: {  	v17, _, _ =	vpop (xrf2);
	(xrf2) =	vadd.scan.msk.f32 $0xffff, v9;
	v14 =	vmul.f32 v28, v20;
	v9 =	vadd.f32 v10, v16;
	v10 =	vld [tilespmem:$0x1FA00]  }
0x17a: {  	v6 =	vadd.f32 v7, v6;
	v16 =	vld [tilespmem:s21+$0x670]  }
0x17b: {  	v18 =	vadd.f32 v24, v22;
	v7 =	vadd.f32 v14, v12;
	v12 =	vld [tilespmem:$0x1F9E0]  }
0x17c: {  	v14 =	vld [tilespmem:$0x1F9F0]  }
0x17d: {  	v5 =	vadd.f32 v5, v18;
	v18 =	vld [tilespmem:$0x1F980]  }
0x17e: {  	v13 =	vmul.f32 v19, v13;
	v19 =	vld [tilespmem:s21+$0x2CF0];
	v6 =	vadd.f32 v7, v6  }
0x17f: {  	v7 =	vld [tilespmem:$0x1F970]  }
0x180: {  	v8 =	vmul.f32 v8, v25;
	v10 =	vmul.f32 v26, v10;
	v5 =	vadd.f32 v6, v5;
	v6 =	vld [tilespmem:$0x1F9B0]  }
0x181: {  	v12 =	vmul.f32 v14, v12;
	v14 =	vld [tilespmem:s21+$0x2E60]  }
0x182: {  	v8 =	vadd.f32 v8, v10;
	v10 =	vld [tilespmem:$0x1F990]  }
0x183: {  	v12 =	vadd.f32 v12, v13;
	v13 =	vld [tilespmem:$0x1F9A0]  }
0x184: {  	v20, _, _ =	vpop (xrf2);
	(xrf2) =	vadd.scan.msk.f32 $0xffff, v9;
	v9 =	vmul.f32 v19, v15;
	v19 =	vld [tilespmem:$0x1F8E0]  }
0x185: {  	v7 =	vmul.f32 v18, v7;
	v18 =	vld [tilespmem:s21+$0x2E70]  }
0x186: {  	v6 =	vmul.f32 v11, v6;
	v11 =	vld [tilespmem:s21+$0x7F0]  }
0x187: {  	v2 =	vadd.f32 v3, v2;
	v3 =	vadd.f32 v8, v12;
	v8 =	vld [tilespmem:$0x1F920]  }
0x188: {  	v12 =	vld [tilespmem:$0x1F930];
	v10 =	vmul.f32 v13, v10  }
0x189: {  	v6 =	vadd.f32 v9, v6;
	v9 =	vld [tilespmem:$0x1F940]  }
0x18a: {  	v2 =	vadd.f32 v3, v2;
	v3 =	vld [tilespmem:$0x1F960];
	v7 =	vadd.f32 v10, v7  }
0x18b: {  	v10 =	vld [tilespmem:$0x1F950]  }
0x18c: {  	v6 =	vadd.f32 v6, v7;
	v7 =	vld [tilespmem:$0x1F8D0]  }
0x18d: {  	v13 =	vld [tilespmem:s21+$0x2FE0]  }
0x18e: {  	v8 =	vmul.f32 v12, v8;
	v12 =	vld [tilespmem:s21+$0x2FF0]  }
0x18f: {  	v3 =	vmul.f32 v14, v3;
	v14 =	vld [tilespmem:s21+$0x30E0]  }
0x190: {  	v15, _, _ =	vpop (xrf2);
	(xrf2) =	vadd.scan.msk.f32 $0xffff, v5;
	v5 =	vmul.f32 v18, v16;
	v9 =	vmul.f32 v10, v9;
	v10 =	vld [tilespmem:s21+$0x8E0]  }
0x191: {  	v16, _, _ =	vpop (xrf2);
	v7 =	vmul.f32 v19, v7;
	v19 =	vld [tilespmem:s21+$0x8F0]  }
0x192: {  	v18 =	vadd.f32 v34, v43;
	v3 =	vadd.f32 v5, v3;
	v5 =	vld [tilespmem:$0x1F8F0]  }
0x193: {  	v8 =	vadd.f32 v9, v8;
	v9 =	vld [tilespmem:$0x1F900]  }
0x194: {  	(xrf2) =	vadd.scan.msk.f32 $0xffff, v2;
	v2 =	vadd.f32 v6, v18;
	v6 =	vld [tilespmem:$0x1F910];
	_ =	sdelay $0x4  }
0x195: {  	v5 =	vmul.f32 v9, v5;
	v6 =	vmul.f32 v13, v6;
	v13 =	vld [tilespmem:$0x1FBA0]  }
0x196: {  	v11 =	vmul.f32 v12, v11;
	v18 =	vld [tilespmem:$0x1F880]  }
0x197: {  	v5 =	vadd.f32 v5, v7;
	v7 =	vld [tilespmem:$0x1F890]  }
0x198: {  	v6 =	vadd.f32 v11, v6;
	v11 =	vld [tilespmem:$0x1F8A0]  }
0x199: {  	v3 =	vadd.f32 v3, v8;
	v8 =	vld [tilespmem:$0x1F870]  }
0x19a: {  	v10 =	vmul.f32 v14, v10;
	v14 =	vld [tilespmem:$0x1FAE0];
	v13 =	vadd.f32 v63, v13  }
0x19b: {  	v9 =	vld [tilespmem:s21+$0x30F0]  }
0x19c: {  	v12, _, _ =	vpop (xrf2);
	(xrf2) =	vadd.scan.msk.f32 $0xffff, v2;
	v2 =	vadd.f32 v3, v13;
	v3 =	vld [tilespmem:$0x1F8B0]  }
0x19d: {  	v7 =	vmul.f32 v11, v7;
	v11 =	vld [tilespmem:$0x1F8C0]  }
0x19e: {  	v13 =	vld [tilespmem:$0x1FAD0];
	_ =	sdelay $0x3  }
0x19f: {  	v8 =	vmul.f32 v18, v8;
	v3 =	vmul.f32 v11, v3  }
0x1a0: {  	v5 =	vadd.f32 v6, v5;
	v9 =	vmul.f32 v9, v19;
	v13 =	vadd.f32 v14, v13  }
0x1a1: {  	v1 =	vadd.f32 v8, v1;
	v11, _, _ =	vpop (xrf2);
	(xrf2) =	vadd.scan.msk.f32 $0xffff, v2;
	v3 =	vadd.f32 v3, v7  }
0x1a2: {  	v6, _, _ =	vpop (xrf2);
	v2 =	vadd.f32 v5, v13;
	v5 =	vadd.f32 v9, v10  }
0x1a3: {  	v7 =	vbroadcast v11, $0xF;
	v9 =	vbroadcast v6, $0xF  }
0x1a4: {  	v8 =	vbroadcast v12, $0xF;
	v1 =	vadd.f32 v1, v62;
	v3 =	vadd.f32 v5, v3;
	(xrf2) =	vadd.scan.msk.f32 $0xffff, v2  }
0x1a5: {  	v6, _, _ =	vpop (xrf2);
	v2 =	vsel vm0, v7, v9;
	v5 =	vbroadcast v16, $0xF  }
0x1a6: {  	v7 =	vbroadcast v6, $0xF;
	v2 =	vsel vm1, v2, v8;
	v1 =	vadd.f32 v3, v1  }
0x1a7: {  	v2 =	vsel vm2, v2, v5;
	v3 =	vbroadcast v15, $0xF  }
0x1a8: {  	v6, _, _ =	vpop (xrf2);
	v5 =	vbroadcast v20, $0xF;
	v2 =	vsel vm3, v2, v7;
	(xrf2) =	vadd.scan.msk.f32 $0xffff, v1  }
0x1a9: {  	v1 =	vsel vm4, v2, v3;
	v2 =	vbroadcast v6, $0xF  }
0x1aa: {  	v3 =	vbroadcast v17, $0xF;
	v1 =	vsel vm5, v1, v5  }
0x1ab: {  	v1 =	vsel vm6, v1, v2;
	v2 =	vbroadcast v4, $0xF;
	v4, _, _ =	vpop (xrf2)  }
0x1ac: {  	v1 =	vsel vm7, v1, v3;
	v4 =	vbroadcast v4, $0xF  }
0x1ad: {  	v0 =	vbroadcast v0, $0xF;
	v1 =	vsel vm8, v1, v2  }
0x1ae: {  	v2 =	vbroadcast v36, $0xF;
	v1 =	vsel vm9, v1, v4;
	v3, _, _ =	vpop (xrf2)  }
0x1af: {  	v0 =	vsel vm10, v1, v0;
	v3 =	vbroadcast v3, $0xF  }
0x1b0: {  	v0 =	vsel vm11, v0, v2;
	v2 =	vbroadcast v35, $0xF  }
0x1b1: {  	v0 =	vsel vm12, v0, v3  }
0x1b2: {  	v0 =	vsel vm13, v0, v2;
	v1, _, _ =	vpop (xrf2)  }
0x1b3: {  	v0 =	vsel vm14, v0, v1  }
0x1b4: {  	v0 =	vsub.f32 $0.0e+00, v0;
	_ =	sdelay $0x1  }
0x1b5: {  	v0 =	vmul.f32 $1.442695020e+00, v0;
	_ =	sdelay $0x1  }
0x1b6: {  	(erf) = vpow2.f32 v0;
	_ =	sdelay $0x8  }
0x1b7: {  	v0 =	vpop (erf)  }
0x1b8: {  	v0 =	vadd.f32 $1.000000000e+00, v0;
	_ =	sdelay $0x1  }
0x1b9: {  	(erf) = vrcp.f32 v0;
	_ =	sdelay $0x7  }
0x1ba: {  	s31 =	sshll.u32 s20, $0x4  }
0x1bb: {  	s23 =	sand.u32 $0x3FFFFFF0, s31;
	v0 =	vpop (erf)  }
0x1bc: {  	s21 =	sshll.u32 s22, $0xB;
	[tilespmem:s23+$0x5100] =	vst v0  }
0x1bd: {  	v0 =	vld [tilespmem:s21+$0x8A0];
	_ =	sdelay $0x4  }
0x1be: {  	[tilespmem:$0x1F840] =	vst v0;
	v0 =	vld [tilespmem:s21+$0x30A0];
	_ =	sdelay $0x4  }
0x1bf: {  	[tilespmem:$0x1F850] =	vst v0;
	v0 =	vld [tilespmem:s21+$0x8B0];
	_ =	sdelay $0x4  }
0x1c0: {  	[tilespmem:$0x1F870] =	vst v0;
	v0 =	vld [tilespmem:s21+$0x30B0];
	_ =	sdelay $0x4  }
0x1c1: {  	[tilespmem:$0x1F880] =	vst v0;
	v0 =	vld [tilespmem:s21+$0x8C0];
	_ =	sdelay $0x4  }
0x1c2: {  	[tilespmem:$0x1F890] =	vst v0;
	v0 =	vld [tilespmem:s21+$0x30C0];
	_ =	sdelay $0x4  }
0x1c3: {  	[tilespmem:$0x1F8A0] =	vst v0;
	v0 =	vld [tilespmem:s21+$0x8D0];
	_ =	sdelay $0x4  }
0x1c4: {  	[tilespmem:$0x1F8B0] =	vst v0;
	v0 =	vld [tilespmem:s21+$0x30D0];
	_ =	sdelay $0x4  }
0x1c5: {  	[tilespmem:$0x1F8C0] =	vst v0;
	v0 =	vld [tilespmem:s21+$0x7C0];
	_ =	sdelay $0x4  }
0x1c6: {  	[tilespmem:$0x1F8D0] =	vst v0;
	v0 =	vld [tilespmem:s21+$0x2FC0];
	_ =	sdelay $0x4  }
0x1c7: {  	[tilespmem:$0x1F8E0] =	vst v0;
	v0 =	vld [tilespmem:s21+$0x7D0];
	_ =	sdelay $0x4  }
0x1c8: {  	[tilespmem:$0x1F8F0] =	vst v0;
	v0 =	vld [tilespmem:s21+$0x2FD0];
	_ =	sdelay $0x4  }
0x1c9: {  	[tilespmem:$0x1F900] =	vst v0;
	v0 =	vld [tilespmem:s21+$0x7E0];
	_ =	sdelay $0x4  }
0x1ca: {  	[tilespmem:$0x1F910] =	vst v0;
	v0 =	vld [tilespmem:s21+$0x2F70];
	_ =	sdelay $0x4  }
0x1cb: {  	[tilespmem:$0x1F270] =	vst v0;
	v0 =	vld [tilespmem:s21+$0x690];
	_ =	sdelay $0x4  }
0x1cc: {  	[tilespmem:$0x1F280] =	vst v0;
	v0 =	vld [tilespmem:s21+$0x2E90];
	_ =	sdelay $0x4  }
0x1cd: {  	[tilespmem:$0x1F290] =	vst v0;
	v0 =	vld [tilespmem:s21+$0x6A0];
	_ =	sdelay $0x4  }
0x1ce: {  	[tilespmem:$0x1F2A0] =	vst v0;
	v0 =	vld [tilespmem:s21+$0x2EA0];
	_ =	sdelay $0x4  }
0x1cf: {  	[tilespmem:$0x1F2B0] =	vst v0;
	v0 =	vld [tilespmem:s21+$0x6B0];
	_ =	sdelay $0x4  }
0x1d0: {  	[tilespmem:$0x1F2C0] =	vst v0;
	v0 =	vld [tilespmem:s21+$0x2EB0];
	_ =	sdelay $0x4  }
0x1d1: {  	[tilespmem:$0x1F2D0] =	vst v0;
	v0 =	vld [tilespmem:s21+$0x6C0];
	_ =	sdelay $0x4  }
0x1d2: {  	[tilespmem:$0x1F2E0] =	vst v0;
	v0 =	vld [tilespmem:s21+$0x2EC0];
	_ =	sdelay $0x4  }
0x1d3: {  	[tilespmem:$0x1F2F0] =	vst v0;
	v0 =	vld [tilespmem:s21+$0x6D0];
	_ =	sdelay $0x4  }
0x1d4: {  	[tilespmem:$0x1F300] =	vst v0;
	v0 =	vld [tilespmem:s21+$0x2ED0];
	_ =	sdelay $0x4  }
0x1d5: {  	[tilespmem:$0x1F310] =	vst v0;
	v0 =	vld [tilespmem:s21+$0x6E0];
	_ =	sdelay $0x4  }
0x1d6: {  	[tilespmem:$0x1F320] =	vst v0;
	v0 =	vld [tilespmem:s21+$0x2EE0];
	_ =	sdelay $0x4  }
0x1d7: {  	[tilespmem:$0x1F330] =	vst v0;
	v0 =	vld [tilespmem:s21+$0x6F0];
	_ =	sdelay $0x4  }
0x1d8: {  	[tilespmem:$0x1F340] =	vst v0;
	v0 =	vld [tilespmem:s21+$0x2EF0];
	_ =	sdelay $0x4  }
0x1d9: {  	[tilespmem:$0x1F350] =	vst v0;
	v0 =	vld [tilespmem:s21+$0x600];
	_ =	sdelay $0x4  }
0x1da: {  	[tilespmem:$0x1F360] =	vst v0;
	v0 =	vld [tilespmem:s21+$0x2E00];
	_ =	sdelay $0x4  }
0x1db: {  	[tilespmem:$0x1F370] =	vst v0;
	v0 =	vld [tilespmem:s21+$0x610];
	_ =	sdelay $0x4  }
0x1dc: {  	[tilespmem:$0x1F380] =	vst v0;
	v0 =	vld [tilespmem:s21+$0x2E10];
	_ =	sdelay $0x4  }
0x1dd: {  	[tilespmem:$0x1F390] =	vst v0;
	v0 =	vld [tilespmem:s21+$0x620];
	_ =	sdelay $0x4  }
0x1de: {  	[tilespmem:$0x1F3A0] =	vst v0;
	v0 =	vld [tilespmem:s21+$0x2E20];
	_ =	sdelay $0x4  }
0x1df: {  	[tilespmem:$0x1F3B0] =	vst v0;
	v0 =	vld [tilespmem:s21+$0x630];
	_ =	sdelay $0x4  }
0x1e0: {  	[tilespmem:$0x1F3C0] =	vst v0;
	v0 =	vld [tilespmem:s21+$0x2E30];
	_ =	sdelay $0x4  }
0x1e1: {  	[tilespmem:$0x1F3D0] =	vst v0;
	v0 =	vld [tilespmem:s21+$0x640];
	_ =	sdelay $0x4  }
0x1e2: {  	[tilespmem:$0x1F920] =	vst v0;
	v0 =	vld [tilespmem:s21+$0x2E40];
	_ =	sdelay $0x4  }
0x1e3: {  	[tilespmem:$0x1F930] =	vst v0;
	v0 =	vld [tilespmem:s21+$0x650];
	_ =	sdelay $0x4  }
0x1e4: {  	[tilespmem:$0x1F940] =	vst v0;
	v0 =	vld [tilespmem:s21+$0x2E50];
	_ =	sdelay $0x4  }
0x1e5: {  	[tilespmem:$0x1F950] =	vst v0;
	v0 =	vld [tilespmem:s21+$0x660];
	_ =	sdelay $0x4  }
0x1e6: {  	[tilespmem:$0x1F960] =	vst v0;
	v0 =	vld [tilespmem:s21+$0x580];
	_ =	sdelay $0x4  }
0x1e7: {  	[tilespmem:$0x1F3E0] =	vst v0;
	v0 =	vld [tilespmem:s21+$0x2D80];
	_ =	sdelay $0x4  }
0x1e8: {  	[tilespmem:$0x1F3F0] =	vst v0;
	v0 =	vld [tilespmem:s21+$0x590];
	_ =	sdelay $0x4  }
0x1e9: {  	[tilespmem:$0x1F400] =	vst v0;
	v0 =	vld [tilespmem:s21+$0x2D90];
	_ =	sdelay $0x4  }
0x1ea: {  	[tilespmem:$0x1F410] =	vst v0;
	v0 =	vld [tilespmem:s21+$0x5A0];
	_ =	sdelay $0x4  }
0x1eb: {  	[tilespmem:$0x1F420] =	vst v0;
	v0 =	vld [tilespmem:s21+$0x2DA0];
	_ =	sdelay $0x4  }
0x1ec: {  	[tilespmem:$0x1F430] =	vst v0;
	v0 =	vld [tilespmem:s21+$0x5B0];
	_ =	sdelay $0x4  }
0x1ed: {  	[tilespmem:$0x1F440] =	vst v0;
	v0 =	vld [tilespmem:s21+$0x2DB0];
	_ =	sdelay $0x4  }
0x1ee: {  	[tilespmem:$0x1F450] =	vst v0;
	v0 =	vld [tilespmem:s21+$0x5C0];
	_ =	sdelay $0x4  }
0x1ef: {  	[tilespmem:$0x1F460] =	vst v0;
	v0 =	vld [tilespmem:s21+$0x2DC0];
	_ =	sdelay $0x4  }
0x1f0: {  	[tilespmem:$0x1F470] =	vst v0;
	v0 =	vld [tilespmem:s21+$0x5D0];
	_ =	sdelay $0x4  }
0x1f1: {  	[tilespmem:$0x1F480] =	vst v0;
	v0 =	vld [tilespmem:s21+$0x5E0];
	_ =	sdelay $0x4  }
0x1f2: {  	[tilespmem:$0x1F490] =	vst v0;
	v0 =	vld [tilespmem:s21+$0x2DE0];
	_ =	sdelay $0x4  }
0x1f3: {  	[tilespmem:$0x1F4A0] =	vst v0;
	v0 =	vld [tilespmem:s21+$0x5F0];
	_ =	sdelay $0x4  }
0x1f4: {  	[tilespmem:$0x1F4B0] =	vst v0;
	v0 =	vld [tilespmem:s21+$0x500];
	_ =	sdelay $0x4  }
0x1f5: {  	[tilespmem:$0x1F4C0] =	vst v0;
	v0 =	vld [tilespmem:s21+$0x2D00];
	_ =	sdelay $0x4  }
0x1f6: {  	[tilespmem:$0x1F4D0] =	vst v0;
	v0 =	vld [tilespmem:s21+$0x510];
	_ =	sdelay $0x4  }
0x1f7: {  	[tilespmem:$0x1F4E0] =	vst v0;
	v0 =	vld [tilespmem:s21+$0x2D10];
	_ =	sdelay $0x4  }
0x1f8: {  	[tilespmem:$0x1F4F0] =	vst v0;
	v0 =	vld [tilespmem:s21+$0x520];
	_ =	sdelay $0x4  }
0x1f9: {  	[tilespmem:$0x1F500] =	vst v0;
	v0 =	vld [tilespmem:s21+$0x2D20];
	_ =	sdelay $0x4  }
0x1fa: {  	[tilespmem:$0x1F510] =	vst v0;
	v0 =	vld [tilespmem:s21+$0x530];
	_ =	sdelay $0x4  }
0x1fb: {  	[tilespmem:$0x1F520] =	vst v0;
	v0 =	vld [tilespmem:s21+$0x2D30];
	_ =	sdelay $0x4  }
0x1fc: {  	[tilespmem:$0x1F530] =	vst v0;
	v0 =	vld [tilespmem:s21+$0x540];
	_ =	sdelay $0x4  }
0x1fd: {  	[tilespmem:$0x1F540] =	vst v0;
	v0 =	vld [tilespmem:s21+$0x2D40];
	_ =	sdelay $0x4  }
0x1fe: {  	[tilespmem:$0x1F550] =	vst v0;
	v0 =	vld [tilespmem:s21+$0x550];
	_ =	sdelay $0x4  }
0x1ff: {  	[tilespmem:$0x1F560] =	vst v0;
	v0 =	vld [tilespmem:s21+$0x2D50];
	_ =	sdelay $0x4  }
0x200: {  	[tilespmem:$0x1F570] =	vst v0;
	v0 =	vld [tilespmem:s21+$0x560];
	_ =	sdelay $0x4  }
0x201: {  	[tilespmem:$0x1F580] =	vst v0;
	v0 =	vld [tilespmem:s21+$0x2D60];
	_ =	sdelay $0x4  }
0x202: {  	[tilespmem:$0x1F590] =	vst v0;
	v0 =	vld [tilespmem:s21+$0x570];
	_ =	sdelay $0x4  }
0x203: {  	[tilespmem:$0x1F5A0] =	vst v0;
	v0 =	vld [tilespmem:s21+$0x2D70];
	_ =	sdelay $0x4  }
0x204: {  	[tilespmem:$0x1F5B0] =	vst v0;
	v0 =	vld [tilespmem:s21+$0x480];
	_ =	sdelay $0x4  }
0x205: {  	[tilespmem:$0x1F5C0] =	vst v0;
	v0 =	vld [tilespmem:s21+$0x2C80];
	_ =	sdelay $0x4  }
0x206: {  	[tilespmem:$0x1F5D0] =	vst v0;
	v0 =	vld [tilespmem:s21+$0x490];
	_ =	sdelay $0x4  }
0x207: {  	[tilespmem:$0x1F5E0] =	vst v0;
	v0 =	vld [tilespmem:s21+$0x2C90];
	_ =	sdelay $0x4  }
0x208: {  	[tilespmem:$0x1F5F0] =	vst v0;
	v0 =	vld [tilespmem:s21+$0x4A0];
	_ =	sdelay $0x4  }
0x209: {  	[tilespmem:$0x1F600] =	vst v0;
	v0 =	vld [tilespmem:s21+$0x2CA0];
	_ =	sdelay $0x4  }
0x20a: {  	[tilespmem:$0x1F610] =	vst v0;
	v0 =	vld [tilespmem:s21+$0x4B0];
	_ =	sdelay $0x4  }
0x20b: {  	[tilespmem:$0x1F620] =	vst v0;
	v0 =	vld [tilespmem:s21+$0x2CB0];
	_ =	sdelay $0x4  }
0x20c: {  	[tilespmem:$0x1F630] =	vst v0;
	v0 =	vld [tilespmem:s21+$0x4C0];
	_ =	sdelay $0x4  }
0x20d: {  	[tilespmem:$0x1F970] =	vst v0;
	v0 =	vld [tilespmem:s21+$0x2CC0];
	_ =	sdelay $0x4  }
0x20e: {  	[tilespmem:$0x1F980] =	vst v0;
	v0 =	vld [tilespmem:s21+$0x4D0];
	_ =	sdelay $0x4  }
0x20f: {  	[tilespmem:$0x1F990] =	vst v0;
	v0 =	vld [tilespmem:s21+$0x2CD0];
	_ =	sdelay $0x4  }
0x210: {  	[tilespmem:$0x1F9A0] =	vst v0;
	v0 =	vld [tilespmem:s21+$0x4E0];
	_ =	sdelay $0x4  }
0x211: {  	[tilespmem:$0x1F9B0] =	vst v0;
	v0 =	vld [tilespmem:s21+$0x400];
	_ =	sdelay $0x4  }
0x212: {  	[tilespmem:$0x1F640] =	vst v0;
	v0 =	vld [tilespmem:s21+$0x2C00];
	_ =	sdelay $0x4  }
0x213: {  	[tilespmem:$0x1F650] =	vst v0;
	v0 =	vld [tilespmem:s21+$0x410];
	_ =	sdelay $0x4  }
0x214: {  	[tilespmem:$0x1F660] =	vst v0;
	v0 =	vld [tilespmem:s21+$0x420];
	_ =	sdelay $0x4  }
0x215: {  	[tilespmem:$0x1F670] =	vst v0;
	v0 =	vld [tilespmem:s21+$0x2C20];
	_ =	sdelay $0x4  }
0x216: {  	[tilespmem:$0x1F680] =	vst v0;
	v0 =	vld [tilespmem:s21+$0x430];
	_ =	sdelay $0x4  }
0x217: {  	[tilespmem:$0x1F690] =	vst v0;
	v0 =	vld [tilespmem:s21+$0x440];
	_ =	sdelay $0x4  }
0x218: {  	[tilespmem:$0x1F6A0] =	vst v0;
	v0 =	vld [tilespmem:s21+$0x2C40];
	_ =	sdelay $0x4  }
0x219: {  	[tilespmem:$0x1F6B0] =	vst v0;
	v0 =	vld [tilespmem:s21+$0x450];
	_ =	sdelay $0x4  }
0x21a: {  	[tilespmem:$0x1F6C0] =	vst v0;
	v0 =	vld [tilespmem:s21+$0x460];
	_ =	sdelay $0x4  }
0x21b: {  	[tilespmem:$0x1F6D0] =	vst v0;
	v0 =	vld [tilespmem:s21+$0x2C60];
	_ =	sdelay $0x4  }
0x21c: {  	[tilespmem:$0x1F6E0] =	vst v0;
	v0 =	vld [tilespmem:s21+$0x470];
	_ =	sdelay $0x4  }
0x21d: {  	[tilespmem:$0x1F6F0] =	vst v0;
	v0 =	vld [tilespmem:s21+$0x380];
	_ =	sdelay $0x4  }
0x21e: {  	[tilespmem:$0x1F700] =	vst v0;
	v0 =	vld [tilespmem:s21+$0x2B80];
	_ =	sdelay $0x4  }
0x21f: {  	[tilespmem:$0x1F710] =	vst v0;
	v0 =	vld [tilespmem:s21+$0x390];
	_ =	sdelay $0x4  }
0x220: {  	[tilespmem:$0x1F720] =	vst v0;
	v0 =	vld [tilespmem:s21+$0x3A0];
	_ =	sdelay $0x4  }
0x221: {  	[tilespmem:$0x1F730] =	vst v0;
	v0 =	vld [tilespmem:s21+$0x2BA0];
	_ =	sdelay $0x4  }
0x222: {  	[tilespmem:$0x1F740] =	vst v0;
	v0 =	vld [tilespmem:s21+$0x3B0];
	_ =	sdelay $0x4  }
0x223: {  	[tilespmem:$0x1F750] =	vst v0;
	v0 =	vld [tilespmem:s21+$0x3C0];
	_ =	sdelay $0x4  }
0x224: {  	[tilespmem:$0x1F760] =	vst v0;
	v0 =	vld [tilespmem:s21+$0x2BC0];
	_ =	sdelay $0x4  }
0x225: {  	[tilespmem:$0x1F770] =	vst v0;
	v0 =	vld [tilespmem:s21+$0x3E0];
	_ =	sdelay $0x4  }
0x226: {  	[tilespmem:$0x1F780] =	vst v0;
	v0 =	vld [tilespmem:s21+$0x300];
	_ =	sdelay $0x4  }
0x227: {  	[tilespmem:$0x1F790] =	vst v0;
	v0 =	vld [tilespmem:s21+$0x2B00];
	_ =	sdelay $0x4  }
0x228: {  	[tilespmem:$0x1F7A0] =	vst v0;
	v0 =	vld [tilespmem:s21+$0x310];
	_ =	sdelay $0x4  }
0x229: {  	[tilespmem:$0x1F7B0] =	vst v0;
	v0 =	vld [tilespmem:s21+$0x2B10];
	_ =	sdelay $0x4  }
0x22a: {  	[tilespmem:$0x1F7C0] =	vst v0;
	v0 =	vld [tilespmem:s21+$0x320];
	_ =	sdelay $0x4  }
0x22b: {  	[tilespmem:$0x1F7D0] =	vst v0;
	v0 =	vld [tilespmem:s21+$0x2B20];
	_ =	sdelay $0x4  }
0x22c: {  	[tilespmem:$0x1F7E0] =	vst v0;
	v0 =	vld [tilespmem:s21+$0x330];
	_ =	sdelay $0x4  }
0x22d: {  	[tilespmem:$0x1F7F0] =	vst v0;
	v0 =	vld [tilespmem:s21+$0x340];
	_ =	sdelay $0x4  }
0x22e: {  	[tilespmem:$0x1F9C0] =	vst v0;
	v0 =	vld [tilespmem:s21+$0x2B40];
	_ =	sdelay $0x2  }
0x22f: {  	v8 =	vld [tilespmem:s21+$0x880]  }
0x230: {  	v9 =	vld [tilespmem:s21+$0x3080]  }
0x231: {  	[tilespmem:$0x1F9D0] =	vst v0;
	v0 =	vld [tilespmem:s21+$0x350]  }
0x232: {  	v10 =	vld [tilespmem:s21+$0x890]  }
0x233: {  	v11 =	vld [tilespmem:s21+$0x3090]  }
0x234: {  	v1 =	vld [tilespmem:s21+$0x800]  }
0x235: {  	v2 =	vld [tilespmem:s21+$0x3000]  }
0x236: {  	[tilespmem:$0x1F9E0] =	vst v0;
	v0 =	vld [tilespmem:s21+$0x2B50]  }
0x237: {  	v3 =	vld [tilespmem:s21+$0x810]  }
0x238: {  	v5 =	vld [tilespmem:s21+$0x3010]  }
0x239: {  	v4 =	vld [tilespmem:s21+$0x820]  }
0x23a: {  	v6 =	vld [tilespmem:s21+$0x3020]  }
0x23b: {  	[tilespmem:$0x1F9F0] =	vst v0;
	v0 =	vld [tilespmem:s21+$0x360]  }
0x23c: {  	v7 =	vld [tilespmem:s21+$0x830]  }
0x23d: {  	v27 =	vld [tilespmem:s21+$0x3030]  }
0x23e: {  	v25 =	vld [tilespmem:s21+$0x840]  }
0x23f: {  	v30 =	vld [tilespmem:s21+$0x3040]  }
0x240: {  	[tilespmem:$0x1FA00] =	vst v0;
	v0 =	vld [tilespmem:s21+$0x280]  }
0x241: {  	v32 =	vld [tilespmem:s21+$0x850]  }
0x242: {  	v35 =	vld [tilespmem:s21+$0x3050]  }
0x243: {  	v33 =	vld [tilespmem:s21+$0x860]  }
0x244: {  	v36 =	vld [tilespmem:s21+$0x3060]  }
0x245: {  	[tilespmem:$0x1F800] =	vst v0;
	v0 =	vld [tilespmem:s21+$0x2A80]  }
0x246: {  	v37 =	vld [tilespmem:s21+$0x870]  }
0x247: {  	v39 =	vld [tilespmem:s21+$0x3070]  }
0x248: {  	v12 =	vld [tilespmem:s21+$0x780]  }
0x249: {  	v13 =	vld [tilespmem:s21+$0x2F80]  }
0x24a: {  	[tilespmem:$0x1F810] =	vst v0;
	v0 =	vmul.f32 v2, v1;
	v2 =	vmul.f32 v6, v4;
	v6 =	vld [tilespmem:s21+$0x2A0]  }
0x24b: {  	v14 =	vld [tilespmem:s21+$0x790]  }
0x24c: {  	v18 =	vld [tilespmem:s21+$0x2F90]  }
0x24d: {  	v17 =	vld [tilespmem:s21+$0x7A0];
	v1 =	vmul.f32 v5, v3;
	v3 =	vmul.f32 v27, v7  }
0x24e: {  	v19 =	vld [tilespmem:s21+$0x2FA0];
	v4 =	vmul.f32 v30, v25;
	v5 =	vmul.f32 v35, v32  }
0x24f: {  	v20 =	vld [tilespmem:s21+$0x7B0];
	v7 =	vmul.f32 v39, v37;
	v0 =	vadd.f32 v1, v0;
	[tilespmem:$0x1F820] =	vst v6;
	v6 =	vmul.f32 v36, v33  }
0x250: {  	v23 =	vld [tilespmem:s21+$0x2FB0];
	v1 =	vadd.f32 v3, v2;
	v2 =	vadd.f32 v5, v4  }
0x251: {  	v4 =	vmul.f32 v9, v8;
	v5 =	vmul.f32 v11, v10;
	v3 =	vadd.f32 v7, v6  }
0x252: {  	v0 =	vadd.f32 v1, v0;
	v6 =	vmul.f32 v18, v14  }
0x253: {  	v47 =	vld [tilespmem:s21+$0x720];
	v1 =	vadd.f32 v3, v2;
	v3 =	vmul.f32 v13, v12;
	v2 =	vadd.f32 v5, v4  }
0x254: {  	v49 =	vld [tilespmem:s21+$0x2F20]  }
0x255: {  	v51 =	vld [tilespmem:s21+$0x730];
	v4 =	vmul.f32 v19, v17;
	v5 =	vmul.f32 v23, v20;
	[tilespmem:$0x1F860] =	vst v2;
	v2 =	vadd.f32 v6, v3  }
0x256: {  	v53 =	vld [tilespmem:s21+$0x2F30]  }
0x257: {  	[tilespmem:$0x1FAD0] =	vst v2;
	v2 =	vadd.f32 v5, v4  }
0x258: {  	v62 =	vld [tilespmem:s21+$0x770]  }
0x259: {  	[tilespmem:$0x1FAE0] =	vst v2;
	v2 =	vld [tilespmem:$0x1F270];
	_ =	sdelay $0x1  }
0x25a: {  	v3 =	vmul.f32 v49, v47;
	v6 =	vmul.f32 v53, v51;
	_ =	sdelay $0x1  }
0x25b: {  	v6 =	vadd.f32 v6, v3;
	v3 =	vld [tilespmem:$0x1F290]  }
0x25c: {  	v7 =	vmul.f32 v2, v62;
	v2 =	vld [tilespmem:$0x1F280]  }
0x25d: {  	v52 =	vld [tilespmem:s21+$0x740]  }
0x25e: {  	v54 =	vld [tilespmem:s21+$0x2F40]  }
0x25f: {  	v55 =	vld [tilespmem:s21+$0x750]  }
0x260: {  	v58 =	vld [tilespmem:s21+$0x2F50]  }
0x261: {  	v62 =	vmul.f32 v3, v2;
	v2 =	vld [tilespmem:$0x1F2A0]  }
0x262: {  	v3 =	vld [tilespmem:$0x1F2B0];
	_ =	sdelay $0x2  }
0x263: {  	v61 =	vld [tilespmem:s21+$0x680];
	v4 =	vmul.f32 v54, v52;
	v5 =	vmul.f32 v58, v55  }
0x264: {  	v63 =	vld [tilespmem:s21+$0x2E80]  }
0x265: {  	v4 =	vadd.f32 v5, v4;
	v5 =	vmul.f32 v3, v2;
	v2 =	vld [tilespmem:$0x1F2C0]  }
0x266: {  	v3 =	vld [tilespmem:$0x1F2D0];
	_ =	sdelay $0x2  }
0x267: {  	v43 =	vld [tilespmem:s21+$0x700]  }
0x268: {  	v44 =	vld [tilespmem:s21+$0x2F00]  }
0x269: {  	v61 =	vmul.f32 v63, v61;
	v63 =	vmul.f32 v3, v2;
	v2 =	vld [tilespmem:$0x1F2E0]  }
0x26a: {  	v3 =	vld [tilespmem:$0x1F2F0];
	_ =	sdelay $0x4  }
0x26b: {  	v10 =	vadd.f32 v1, v0;
	v0 =	vmul.f32 v44, v43;
	v43 =	vmul.f32 v3, v2;
	v2 =	vld [tilespmem:$0x1F300]  }
0x26c: {  	v3 =	vld [tilespmem:$0x1F310]  }
0x26d: {  	v46 =	vld [tilespmem:s21+$0x710]  }
0x26e: {  	v48 =	vld [tilespmem:s21+$0x2F10];
	_ =	sdelay $0x2  }
0x26f: {  	v44 =	vmul.f32 v3, v2;
	v2 =	vld [tilespmem:$0x1F320]  }
0x270: {  	v3 =	vld [tilespmem:$0x1F330]  }
0x271: {  	v1 =	vmul.f32 v48, v46;
	_ =	sdelay $0x1  }
0x272: {  	v0 =	vadd.f32 v1, v0;
	_ =	sdelay $0x1  }
0x273: {  	v0 =	vadd.f32 v6, v0;
	v6 =	vmul.f32 v3, v2;
	v2 =	vld [tilespmem:$0x1F340]  }
0x274: {  	v3 =	vld [tilespmem:$0x1F350];
	_ =	sdelay $0x4  }
0x275: {  	v46 =	vmul.f32 v3, v2;
	v2 =	vld [tilespmem:$0x1F360]  }
0x276: {  	v3 =	vld [tilespmem:$0x1F370];
	_ =	sdelay $0x4  }
0x277: {  	v55 =	vmul.f32 v3, v2;
	v2 =	vld [tilespmem:$0x1F380]  }
0x278: {  	v3 =	vld [tilespmem:$0x1F390];
	_ =	sdelay $0x2  }
0x279: {  	v57 =	vld [tilespmem:s21+$0x760]  }
0x27a: {  	v59 =	vld [tilespmem:s21+$0x2F60]  }
0x27b: {  	v49 =	vmul.f32 v3, v2;
	v2 =	vld [tilespmem:$0x1F3A0]  }
0x27c: {  	v3 =	vld [tilespmem:$0x1F3B0];
	_ =	sdelay $0x4  }
0x27d: {  	v1 =	vmul.f32 v59, v57;
	v59 =	vmul.f32 v3, v2;
	v2 =	vld [tilespmem:$0x1F3C0]  }
0x27e: {  	v3 =	vld [tilespmem:$0x1F3D0];
	_ =	sdelay $0x2  }
0x27f: {  	v1 =	vadd.f32 v7, v1;
	_ =	sdelay $0x1  }
0x280: {  	v1 =	vadd.f32 v1, v4;
	v4 =	vadd.f32 v62, v61;
	v61 =	vmul.f32 v3, v2;
	v2 =	vld [tilespmem:$0x1F3E0]  }
0x281: {  	v3 =	vld [tilespmem:$0x1F3F0];
	_ =	sdelay $0x2  }
0x282: {  	v7 =	vadd.f32 v1, v0;
	v0 =	vld [tilespmem:$0x1F420]  }
0x283: {  	v1 =	vld [tilespmem:$0x1F430]  }
0x284: {  	v54 =	vmul.f32 v3, v2;
	v2 =	vld [tilespmem:$0x1F400]  }
0x285: {  	v3 =	vld [tilespmem:$0x1F410];
	_ =	sdelay $0x3  }
0x286: {  	v0 =	vmul.f32 v1, v0;
	v1 =	vld [tilespmem:$0x1F440]  }
0x287: {  	v62 =	vmul.f32 v3, v2;
	v2 =	vld [tilespmem:$0x1F450];
	_ =	sdelay $0x3  }
0x288: {  	v3 =	vld [tilespmem:$0x1F470]  }
0x289: {  	v1 =	vmul.f32 v2, v1;
	v2 =	vld [tilespmem:$0x1F460];
	_ =	sdelay $0x2  }
0x28a: {  	v47 =	vadd.f32 v44, v43;
	v48 =	vadd.f32 v46, v6  }
0x28b: {  	v60 =	vld [tilespmem:s21+$0x2DD0]  }
0x28c: {  	v53 =	vadd.f32 v48, v47;
	v47 =	vmul.f32 v3, v2;
	v2 =	vld [tilespmem:$0x1F480];
	_ =	sdelay $0x3  }
0x28d: {  	v56 =	vld [tilespmem:s21+$0x2DF0]  }
0x28e: {  	v50 =	vld [tilespmem:s21+$0x2C10];
	v48 =	vmul.f32 v60, v2;
	v2 =	vadd.f32 v49, v55  }
0x28f: {  	v3 =	vld [tilespmem:$0x1F4A0]  }
0x290: {  	[tilespmem:$0x1FBA0] =	vst v2;
	v2 =	vld [tilespmem:$0x1F490]  }
0x291: {  	v34 =	vld [tilespmem:s21+$0x2C30]  }
0x292: {  	v38 =	vld [tilespmem:s21+$0x2C50]  }
0x293: {  	v29 =	vld [tilespmem:s21+$0x2C70]  }
0x294: {  	v28 =	vld [tilespmem:s21+$0x2B90]  }
0x295: {  	v49 =	vmul.f32 v3, v2;
	v2 =	vld [tilespmem:$0x1F4B0]  }
0x296: {  	v22 =	vld [tilespmem:s21+$0x2BB0]  }
0x297: {  	v26 =	vld [tilespmem:s21+$0x3D0]  }
0x298: {  	v16 =	vld [tilespmem:s21+$0x2BD0]  }
0x299: {  	v3 =	vld [tilespmem:$0x1F4D0]  }
0x29a: {  	v56 =	vmul.f32 v56, v2;
	v2 =	vld [tilespmem:$0x1F4C0]  }
0x29b: {  	v24 =	vld [tilespmem:s21+$0x2BE0]  }
0x29c: {  	v21 =	vld [tilespmem:s21+$0x3F0]  }
0x29d: {  	v15 =	vld [tilespmem:s21+$0x2BF0]  }
0x29e: {  	v31 =	vld [tilespmem:s21+$0x2B30]  }
0x29f: {  	v43 =	vmul.f32 v3, v2;
	v2 =	vld [tilespmem:$0x1F4E0]  }
0x2a0: {  	v3 =	vld [tilespmem:$0x1F4F0]  }
0x2a1: {  	v45 =	vld [tilespmem:s21+$0x290]  }
0x2a2: {  	v42 =	vld [tilespmem:s21+$0x2B0]  }
0x2a3: {  	v41 =	vld [tilespmem:s21+$0x2C0];
	v5 =	vadd.f32 v63, v5  }
0x2a4: {  	v40 =	vld [tilespmem:s21+$0x2AC0]  }
0x2a5: {  	v46 =	vadd.f32 v5, v4;
	v5 =	vmul.f32 v3, v2;
	v2 =	vld [tilespmem:$0x1F500]  }
0x2a6: {  	v3 =	vld [tilespmem:$0x1F510]  }
0x2a7: {  	v26 =	vmul.f32 v16, v26;
	v16 =	vld [tilespmem:s21+$0x160]  }
0x2a8: {  	v27 =	vld [tilespmem:s21+$0x2A90]  }
0x2a9: {  	v6 =	vadd.f32 v1, v0;
	v0 =	vld [tilespmem:$0x1F540]  }
0x2aa: {  	v1 =	vld [tilespmem:$0x1F550]  }
0x2ab: {  	v44 =	vadd.f32 v53, v46;
	v46 =	vmul.f32 v3, v2;
	v2 =	vld [tilespmem:$0x1F520]  }
0x2ac: {  	v3 =	vld [tilespmem:$0x1F530]  }
0x2ad: {  	v25 =	vld [tilespmem:s21+$0x2AA0]  }
0x2ae: {  	v39 =	vld [tilespmem:s21+$0x2D0]  }
0x2af: {  	v37 =	vld [tilespmem:s21+$0x2E0]  }
0x2b0: {  	v35 =	vld [tilespmem:s21+$0x2F0]  }
0x2b1: {  	v4 =	vmul.f32 v3, v2;
	v3 =	vmul.f32 v1, v0;
	v0 =	vld [tilespmem:$0x1F560]  }
0x2b2: {  	v1 =	vld [tilespmem:$0x1F570]  }
0x2b3: {  	v32 =	vld [tilespmem:s21+$0x2A00]  }
0x2b4: {  	v30 =	vld [tilespmem:s21+$0x210]  }
0x2b5: {  	v8 =	vld [tilespmem:s21+$0x2A10]  }
0x2b6: {  	v11 =	vld [tilespmem:s21+$0x2A60]  }
0x2b7: {  	v2 =	vmul.f32 v1, v0;
	v0 =	vld [tilespmem:$0x1F580]  }
0x2b8: {  	v1 =	vld [tilespmem:$0x1F590]  }
0x2b9: {  	v9 =	vld [tilespmem:$0x1F5B0]  }
0x2ba: {  	[tilespmem:$0x1F830] =	vst v25;
	v25 =	vld [tilespmem:s21+$0x2AB0]  }
0x2bb: {  	v36 =	vld [tilespmem:s21+$0x2AE0]  }
0x2bc: {  	v33 =	vld [tilespmem:s21+$0x200]  }
0x2bd: {  	v1 =	vmul.f32 v1, v0;
	v0 =	vld [tilespmem:$0x1F5A0]  }
0x2be: {  	v45 =	vmul.f32 v27, v45;
	v27 =	vld [tilespmem:s21+$0x190]  }
0x2bf: {  	v18 =	vld [tilespmem:s21+$0x2AD0]  }
0x2c0: {  	v14 =	vld [tilespmem:s21+$0x240]  }
0x2c1: {  	v30 =	vmul.f32 v8, v30;
	v8 =	vld [tilespmem:s21+$0x1B0]  }
0x2c2: {  	v13 =	vld [tilespmem:s21+$0x2AF0];
	v0 =	vmul.f32 v9, v0  }
0x2c3: {  	v23 =	vld [tilespmem:s21+$0x220];
	v5 =	vadd.f32 v5, v43;
	v4 =	vadd.f32 v4, v46  }
0x2c4: {  	v20 =	vld [tilespmem:s21+$0x2A20];
	v2 =	vadd.f32 v2, v3;
	v0 =	vadd.f32 v0, v1  }
0x2c5: {  	v4 =	vadd.f32 v4, v5;
	v5 =	vld [tilespmem:$0x1F5D0]  }
0x2c6: {  	v0 =	vadd.f32 v0, v2;
	v2 =	vld [tilespmem:$0x1F5C0]  }
0x2c7: {  	v19 =	vld [tilespmem:s21+$0x230]  }
0x2c8: {  	v17 =	vld [tilespmem:s21+$0x2A30];
	v54 =	vadd.f32 v62, v54  }
0x2c9: {  	v12 =	vld [tilespmem:s21+$0x2A40]  }
0x2ca: {  	v1 =	vadd.f32 v6, v54;
	v6 =	vld [tilespmem:$0x1F5F0]  }
0x2cb: {  	v2 =	vmul.f32 v5, v2;
	v5 =	vld [tilespmem:$0x1F5E0]  }
0x2cc: {  	v42 =	vmul.f32 v25, v42;
	v25 =	vld [tilespmem:s21+$0x2990];
	v58 =	vadd.f32 v48, v47;
	v55 =	vadd.f32 v56, v49  }
0x2cd: {  	v51 =	vld [tilespmem:s21+$0x130]  }
0x2ce: {  	v39 =	vmul.f32 v18, v39;
	v18 =	vld [tilespmem:s21+$0x1A0];
	v3 =	vadd.f32 v55, v58  }
0x2cf: {  	v57 =	vld [tilespmem:s21+$0x260]  }
0x2d0: {  	v1 =	vadd.f32 v3, v1;
	v3 =	vld [tilespmem:$0x1F600];
	v5 =	vmul.f32 v6, v5  }
0x2d1: {  	v6 =	vld [tilespmem:$0x1F610]  }
0x2d2: {  	v43 =	vadd.f32 v5, v2;
	v2 =	vld [tilespmem:$0x1F670]  }
0x2d3: {  	v5 =	vld [tilespmem:$0x1F680]  }
0x2d4: {  	v52 =	vld [tilespmem:s21+$0x2930]  }
0x2d5: {  	v9 =	vld [tilespmem:$0x1F630]  }
0x2d6: {  	v3 =	vmul.f32 v6, v3;
	v6 =	vld [tilespmem:$0x1F620]  }
0x2d7: {  	(xrf2) =	vadd.scan.msk.f32 $0xffff, v10;
	v10 =	vld [tilespmem:$0x1F790]  }
0x2d8: {  	v2 =	vmul.f32 v5, v2;
	v5 =	vld [tilespmem:$0x1F690]  }
0x2d9: {  	v47 =	vld [tilespmem:$0x1F650]  }
0x2da: {  	v48 =	vld [tilespmem:$0x1F660]  }
0x2db: {  	v0 =	vadd.f32 v0, v4;
	v4 =	vld [tilespmem:$0x1F640];
	v6 =	vmul.f32 v9, v6  }
0x2dc: {  	v35 =	vmul.f32 v13, v35;
	v13 =	vld [tilespmem:s21+$0x29A0];
	v20 =	vmul.f32 v20, v23  }
0x2dd: {  	v17 =	vmul.f32 v17, v19;
	v5 =	vmul.f32 v34, v5;
	v34 =	vadd.f32 v6, v3;
	v3 =	vld [tilespmem:$0x1F6A0]  }
0x2de: {  	v6 =	vld [tilespmem:$0x1F6B0]  }
0x2df: {  	v20 =	vadd.f32 v17, v20;
	v17 =	vld [tilespmem:s21+$0x1E0]  }
0x2e0: {  	v53 =	vld [tilespmem:s21+$0x270];
	v50 =	vmul.f32 v50, v48;
	v4 =	vmul.f32 v47, v4  }
0x2e1: {  	v49 =	vld [tilespmem:$0x1F6D0]  }
0x2e2: {  	v4 =	vadd.f32 v50, v4;
	v50 =	vld [tilespmem:$0x1F6E0]  }
0x2e3: {  	v2 =	vadd.f32 v5, v2;
	v3 =	vmul.f32 v6, v3;
	v6 =	vld [tilespmem:$0x1F6C0]  }
0x2e4: {  	v63 =	vadd.f32 v61, v59;
	v59 =	vld [tilespmem:s21+$0x2A50]  }
0x2e5: {  	v2 =	vadd.f32 v2, v4;
	v4 =	vld [tilespmem:$0x1F780]  }
0x2e6: {  	v48 =	vld [tilespmem:$0x1F6F0]  }
0x2e7: {  	v46 =	vld [tilespmem:$0x1F740]  }
0x2e8: {  	v50 =	vmul.f32 v50, v49;
	v49 =	vld [tilespmem:$0x1F710];
	v6 =	vmul.f32 v38, v6  }
0x2e9: {  	v5 =	vld [tilespmem:$0x1F700]  }
0x2ea: {  	v4 =	vmul.f32 v24, v4;
	v24 =	vmul.f32 v15, v21;
	v3 =	vadd.f32 v6, v3;
	v6 =	vld [tilespmem:$0x1F730]  }
0x2eb: {  	v60 =	vld [tilespmem:s21+$0x250]  }
0x2ec: {  	v4 =	vadd.f32 v24, v4;
	v24 =	vld [tilespmem:$0x1F7A0]  }
0x2ed: {  	v61 =	vld [tilespmem:s21+$0x100];
	v48 =	vmul.f32 v29, v48  }
0x2ee: {  	v5 =	vmul.f32 v49, v5;
	v49 =	vld [tilespmem:$0x1F720]  }
0x2ef: {  	v48 =	vadd.f32 v48, v50;
	v6 =	vmul.f32 v46, v6;
	v46 =	vld [tilespmem:$0x1F750]  }
0x2f0: {  	v12 =	vmul.f32 v12, v14;
	v62 =	vld [tilespmem:s21+$0x2900]  }
0x2f1: {  	v14 =	vmul.f32 v59, v60;
	v3 =	vadd.f32 v48, v3;
	v48 =	vmul.f32 v24, v10;
	v10 =	vld [tilespmem:$0x1F7B0]  }
0x2f2: {  	v24 =	vld [tilespmem:$0x1F7C0]  }
0x2f3: {  	v12 =	vadd.f32 v14, v12;
	v14 =	vld [tilespmem:s21+$0x29D0]  }
0x2f4: {  	v29 =	vld [tilespmem:s21+$0x2940];
	v49 =	vmul.f32 v28, v49;
	v47 =	vmul.f32 v22, v46  }
0x2f5: {  	v56 =	vld [tilespmem:s21+$0x2A70]  }
0x2f6: {  	v58 =	vld [tilespmem:s21+$0x110];
	v5 =	vadd.f32 v49, v5;
	v6 =	vadd.f32 v47, v6  }
0x2f7: {  	v49 =	vmul.f32 v24, v10;
	v10 =	vld [tilespmem:$0x1F7E0]  }
0x2f8: {  	v5 =	vadd.f32 v6, v5;
	v6 =	vld [tilespmem:$0x1F7D0]  }
0x2f9: {  	v55 =	vld [tilespmem:s21+$0x120]  }
0x2fa: {  	(xrf2) =	vadd.scan.msk.f32 $0xffff, v7;
	v50 =	vld [tilespmem:$0x1F770]  }
0x2fb: {  	v32 =	vmul.f32 v32, v33;
	(xrf2) =	vadd.scan.msk.f32 $0xffff, v44;
	v46 =	vld [tilespmem:$0x1F760]  }
0x2fc: {  	v23 =	vmul.f32 v56, v53;
	v54 =	vld [tilespmem:s21+$0x2910];
	(xrf2) =	vadd.scan.msk.f32 $0xffff, v1;
	v1 =	vmul.f32 v11, v57  }
0x2fd: {  	v30 =	vadd.f32 v30, v32;
	v6 =	vmul.f32 v10, v6;
	v10 =	vld [tilespmem:$0x1F7F0]  }
0x2fe: {  	v11 =	vld [tilespmem:s21+$0x1D0];
	v1 =	vadd.f32 v23, v1  }
0x2ff: {  	v57 =	vadd.f32 v20, v30;
	v20 =	vld [tilespmem:s21+$0x1F0]  }
0x300: {  	v59 =	vadd.f32 v1, v12;
	v1 =	vld [tilespmem:$0x1F840];
	v50 =	vmul.f32 v50, v46  }
0x301: {  	v46 =	vld [tilespmem:$0x1F810]  }
0x302: {  	v47 =	vadd.f32 v26, v50;
	v50 =	vmul.f32 v31, v10;
	v10 =	vld [tilespmem:$0x1F800]  }
0x303: {  	v9 =	vld [tilespmem:s21+$0x2920]  }
0x304: {  	v15 =	vld [tilespmem:s21+$0x2960]  }
0x305: {  	v21 =	vld [tilespmem:s21+$0x170]  }
0x306: {  	v38 =	vld [tilespmem:s21+$0x140]  }
0x307: {  	v4 =	vadd.f32 v4, v47;
	v47 =	vmul.f32 v46, v10;
	v46 =	vadd.f32 v3, v2;
	v2 =	vld [tilespmem:$0x1F820]  }
0x308: {  	v3 =	vld [tilespmem:$0x1F830]  }
0x309: {  	v36 =	vmul.f32 v36, v37;
	v28 =	vld [tilespmem:s21+$0x150];
	v10 =	vadd.f32 v4, v5;
	v4 =	vmul.f32 v40, v41  }
0x30a: {  	v24 =	vld [tilespmem:s21+$0x180]  }
0x30b: {  	v37 =	vadd.f32 v35, v36;
	v22 =	vld [tilespmem:s21+$0x2950];
	v4 =	vadd.f32 v39, v4  }
0x30c: {  	v26 =	vld [tilespmem:s21+$0x2970]  }
0x30d: {  	v56 =	vadd.f32 v37, v4;
	v4 =	vld [tilespmem:$0x1F850];
	v7 =	vmul.f32 v3, v2  }
0x30e: {  	p0 =	sne.s32 s22, $0x4;
	v31 =	vld [tilespmem:s21+$0x2980];
	v3 =	vadd.f32 v50, v6  }
.Ltmp0:
0x30f: {  	v5 =	vld [tilespmem:s21+$0x29B0];
	v50 =	vadd.f32 v45, v47;
	v19 =	vadd.f32 v42, v7;
	(pc) =	sbr.rel @p0 .LBB2_3-.Ltmp0, $4  }
0x310: {  	v6 =	vld [tilespmem:s21+$0x1C0]  }
0x311: {  	v32 =	vmul.f32 v52, v51;
	v35, _, _ =	vpop (xrf2);
	v30 =	vmul.f32 v9, v55;
	v7 =	vld [tilespmem:s21+$0x29C0];
	v53 =	vadd.f32 v19, v50  }
0x312: {  	v36, _, _ =	vpop (xrf2);
	(xrf2) =	vadd.scan.msk.f32 $0xffff, v0;
	v9 =	vadd.f32 v59, v57;
	v1 =	vmul.f32 v4, v1;
	v4 =	vmul.f32 v62, v61;
	v62 =	vld [tilespmem:$0x1F860]  }
0x313: {  	s20 =	smov.u32 s22;
	s22 =	sadd.s32 $0x1, s22;
	v23 =	vmul.f32 v54, v58;
	v0, _, _ =	vpop (xrf2);
	(xrf2) =	vadd.scan.msk.f32 $0xffff, v46;
	v2 =	vadd.f32 v49, v48;
	v19 =	vld [tilespmem:s21+$0x29E0];
	v12 =	vadd.f32 v56, v53  }
0x314: {  	v54 =	vld [tilespmem:s21+$0x29F0]  }
0x315: {  	v57 =	vld [tilespmem:s21+$0x2B60]  }
0x316: {  	v58 =	vld [tilespmem:s21+$0x370]  }
0x317: {  	v59 =	vld [tilespmem:s21+$0x2B70]  }
0x318: {  	v61 =	vld [tilespmem:s21+$0x2CE0]  }
0x319: {  	v22 =	vmul.f32 v22, v28;
	v28 =	vld [tilespmem:s21+$0x4F0]  }
0x31a: {  	v56 =	vadd.f32 v32, v30;
	v30 =	vld [tilespmem:$0x1F9C0]  }
0x31b: {  	v24 =	vmul.f32 v31, v24;
	v31 =	vld [tilespmem:$0x1F9D0]  }
0x31c: {  	v32 =	vld [tilespmem:s21+$0x2CF0]  }
0x31d: {  	v37 =	vld [tilespmem:$0x1F9E0]  }
0x31e: {  	v29 =	vmul.f32 v29, v38;
	v38 =	vld [tilespmem:$0x1F9F0]  }
0x31f: {  	v39 =	vld [tilespmem:s21+$0x2E60]  }
0x320: {  	v40 =	vld [tilespmem:$0x1FA00]  }
0x321: {  	v41 =	vld [tilespmem:s21+$0x670]  }
0x322: {  	v42 =	vld [tilespmem:$0x1F970]  }
0x323: {  	v44 =	vld [tilespmem:$0x1F980]  }
0x324: {  	v45 =	vld [tilespmem:s21+$0x2E70]  }
0x325: {  	v47 =	vld [tilespmem:$0x1F990]  }
0x326: {  	v48 =	vld [tilespmem:$0x1F9A0]  }
0x327: {  	v49 =	vld [tilespmem:s21+$0x2FE0]  }
0x328: {  	v50 =	vld [tilespmem:$0x1F9B0]  }
0x329: {  	v15 =	vmul.f32 v15, v16;
	v55 =	vmul.f32 v26, v21;
	v52 =	vld [tilespmem:s21+$0x7F0]  }
0x32a: {  	v25 =	vmul.f32 v25, v27;
	v27 =	vld [tilespmem:s21+$0x30F0]  }
0x32b: {  	v4 =	vadd.f32 v23, v4;
	v15 =	vadd.f32 v55, v15;
	v55 =	vld [tilespmem:$0x1F930]  }
0x32c: {  	v22 =	vadd.f32 v22, v29;
	v29 =	vadd.f32 v25, v24;
	v24 =	vld [tilespmem:$0x1F8F0]  }
0x32d: {  	v60 =	vmul.f32 v14, v11;
	v6 =	vmul.f32 v7, v6;
	v25 =	vld [tilespmem:$0x1F900]  }
0x32e: {  	v4 =	vadd.f32 v56, v4;
	v56 =	vld [tilespmem:s21+$0x2FF0]  }
0x32f: {  	v6 =	vadd.f32 v60, v6;
	v60 =	vld [tilespmem:$0x1F960]  }
0x330: {  	v23 =	vmul.f32 v54, v20;
	v54 =	vld [tilespmem:$0x1F920]  }
0x331: {  	v14 =	vmul.f32 v57, v40;
	v57 =	vld [tilespmem:$0x1F940]  }
0x332: {  	v5 =	vmul.f32 v5, v8;
	v8 =	vmul.f32 v59, v58;
	v58 =	vld [tilespmem:$0x1F950]  }
0x333: {  	v13 =	vmul.f32 v13, v18;
	v59 =	vld [tilespmem:s21+$0x8E0]  }
0x334: {  	v51 =	vmul.f32 v32, v28;
	v28 =	vld [tilespmem:$0x1F910]  }
0x335: {  	v5 =	vadd.f32 v5, v13;
	v13 =	vmul.f32 v31, v30;
	v30 =	vld [tilespmem:$0x1FBA0]  }
0x336: {  	v21 =	vadd.f32 v15, v22;
	v22 =	vmul.f32 v19, v17;
	v31 =	vld [tilespmem:$0x1F870]  }
0x337: {  	v32 =	vld [tilespmem:$0x1F880]  }
0x338: {  	v20 =	vadd.f32 v34, v43;
	v34 =	vld [tilespmem:$0x1F890];
	v33 =	vadd.f32 v23, v22  }
0x339: {  	v5 =	vadd.f32 v5, v29;
	v15 =	vmul.f32 v38, v37;
	v37 =	vld [tilespmem:$0x1F8A0]  }
0x33a: {  	(xrf2) =	vadd.scan.msk.f32 $0xffff, v10;
	v40 =	vld [tilespmem:$0x1F8C0];
	v4 =	vadd.f32 v21, v4;
	v6 =	vadd.f32 v33, v6  }
0x33b: {  	(xrf2) =	vadd.scan.msk.f32 $0xffff, v12;
	v7 =	vmul.f32 v44, v42;
	v42 =	vld [tilespmem:$0x1FAD0];
	v46 =	vadd.f32 v15, v13;
	v8 =	vadd.f32 v8, v14  }
0x33c: {  	(xrf2) =	vadd.scan.msk.f32 $0xffff, v9;
	v21 =	vld [tilespmem:$0x1F8D0];
	v13 =	vmul.f32 v48, v47;
	v5 =	vadd.f32 v6, v5;
	v6 =	vmul.f32 v61, v50  }
0x33d: {  	v2 =	vadd.f32 v3, v2;
	v10 =	vmul.f32 v45, v41;
	v22 =	vld [tilespmem:$0x1F8E0];
	(xrf2) =	vadd.scan.msk.f32 $0xffff, v4;
	v53 =	vadd.f32 v8, v46  }
0x33e: {  	v23 =	vld [tilespmem:s21+$0x8F0];
	v7 =	vadd.f32 v13, v7;
	v3 =	vmul.f32 v39, v60;
	v6 =	vadd.f32 v51, v6;
	(xrf2) =	vadd.scan.msk.f32 $0xffff, v5  }
0x33f: {  	v39 =	vld [tilespmem:$0x1F8B0];
	v4 =	vmul.f32 v55, v54;
	v9 =	vmul.f32 v58, v57;
	v2 =	vadd.f32 v53, v2  }
0x340: {  	v8 =	vmul.f32 v56, v52;
	v14 =	vadd.f32 v63, v30;
	v61 =	vld [tilespmem:s21+$0x30E0];
	v6 =	vadd.f32 v6, v7  }
0x341: {  	v26, _, _ =	vpop (xrf2);
	v43 =	vld [tilespmem:$0x1FAE0];
	v13 =	vmul.f32 v49, v28;
	v3 =	vadd.f32 v10, v3;
	v4 =	vadd.f32 v9, v4;
	(xrf2) =	vadd.scan.msk.f32 $0xffff, v2  }
0x342: {  	v29, _, _ =	vpop (xrf2);
	v9 =	vmul.f32 v25, v24;
	v7 =	vmul.f32 v22, v21;
	v6 =	vadd.f32 v6, v20  }
0x343: {  	v33, _, _ =	vpop (xrf2);
	v8 =	vadd.f32 v8, v13;
	v3 =	vadd.f32 v3, v4  }
0x344: {  	v38, _, _ =	vpop (xrf2);
	v4 =	vmul.f32 v32, v31;
	v13 =	vmul.f32 v40, v39;
	v7 =	vadd.f32 v9, v7;
	(xrf2) =	vadd.scan.msk.f32 $0xffff, v6  }
0x345: {  	v41, _, _ =	vpop (xrf2);
	v2 =	vmul.f32 v27, v23;
	v3 =	vadd.f32 v3, v14;
	v5 =	vmul.f32 v61, v59  }
0x346: {  	v44, _, _ =	vpop (xrf2);
	v14 =	vadd.f32 v43, v42;
	v9 =	vmul.f32 v37, v34;
	v7 =	vadd.f32 v8, v7  }
0x347: {  	v1 =	vadd.f32 v4, v1;
	v46, _, _ =	vpop (xrf2);
	v2 =	vadd.f32 v2, v5;
	(xrf2) =	vadd.scan.msk.f32 $0xffff, v3  }
0x348: {  	v45 =	vadd.f32 v13, v9;
	v7 =	vadd.f32 v7, v14;
	v47, _, _ =	vpop (xrf2)  }
0x349: {  	v3 =	vbroadcast v46, $0xF;
	v5 =	vbroadcast v47, $0xF  }
0x34a: {  	v48 =	vbroadcast v44, $0xF;
	v1 =	vadd.f32 v1, v62;
	v2 =	vadd.f32 v2, v45;
	(xrf2) =	vadd.scan.msk.f32 $0xffff, v7  }
0x34b: {  	v49 =	vbroadcast v41, $0xF;
	v50, _, _ =	vpop (xrf2);
	v3 =	vsel vm0, v3, v5  }
0x34c: {  	v1 =	vadd.f32 v2, v1;
	v51 =	vbroadcast v50, $0xF;
	v3 =	vsel vm1, v3, v48  }
0x34d: {  	v52 =	vbroadcast v38, $0xF;
	v3 =	vsel vm2, v3, v49  }
0x34e: {  	v53 =	vbroadcast v33, $0xF;
	(xrf2) =	vadd.scan.msk.f32 $0xffff, v1;
	v2 =	vsel vm3, v3, v51;
	v54, _, _ =	vpop (xrf2)  }
0x34f: {  	v2 =	vsel vm4, v2, v52;
	v1 =	vbroadcast v54, $0xF  }
0x350: {  	v55 =	vbroadcast v29, $0xF;
	v2 =	vsel vm5, v2, v53  }
0x351: {  	v56 =	vbroadcast v26, $0xF;
	v57, _, _ =	vpop (xrf2);
	v1 =	vsel vm6, v2, v1  }
0x352: {  	v58 =	vbroadcast v57, $0xF;
	v1 =	vsel vm7, v1, v55  }
0x353: {  	v0 =	vbroadcast v0, $0xF;
	v1 =	vsel vm8, v1, v56  }
0x354: {  	v59 =	vbroadcast v36, $0xF;
	v60, _, _ =	vpop (xrf2);
	v1 =	vsel vm9, v1, v58  }
0x355: {  	v61 =	vbroadcast v60, $0xF;
	v0 =	vsel vm10, v1, v0  }
0x356: {  	v62 =	vbroadcast v35, $0xF;
	v0 =	vsel vm11, v0, v59  }
0x357: {  	v0 =	vsel vm12, v0, v61  }
0x358: {  	v63, _, _ =	vpop (xrf2);
	v0 =	vsel vm13, v0, v62  }
0x359: {  	v0 =	vsel vm14, v0, v63  }
0x35a: {  	v0 =	vsub.f32 $0.0e+00, v0;
	_ =	sdelay $0x1  }
0x35b: {  	v0 =	vmul.f32 $1.442695020e+00, v0;
	_ =	sdelay $0x1  }
0x35c: {  	(erf) = vpow2.f32 v0;
	_ =	sdelay $0x8  }
0x35d: {  	v0 =	vpop (erf)  }
0x35e: {  	v0 =	vadd.f32 $1.000000000e+00, v0;
	_ =	sdelay $0x1  }
0x35f: {  	(erf) = vrcp.f32 v0;
	_ =	sdelay $0x7  }
0x360: {  	s20 =	sshll.u32 s20, $0x4;
	s18 =	sadd.s32 $0x1, s18  }
0x361: {  	s20 =	sand.u32 $0x3FFFFFF0, s20;
	p0 =	sne.s32 s18, $0x7D;
	v0 =	vpop (erf)  }
.Ltmp1:
0x362: {  	s19 =	sadd.s32 s3, s19;
	[tilespmem:s20+$0x5100] =	vst v0;
	(pc) =	sbr.rel @p0 .LBB2_2-.Ltmp1, $4  }
0x363: {  	[hbm4b:s19+s5] =	stream.linear.scatter [tilespmem:s16], [sflag:$0x3], $0x50, $0x38;
	[tilespmem:$0x5180] =	vst v63  }
0x364: {  	_ =	swait.ge [sflag:s9], $0x50  }
0x365: {  	[sflag:s9] =	ssyncset.done $0x0  }
0x366: {  	[sflag:s9] =	ssyncadd.s32 $0xFFFFFFB0  }
0x367: {  	s17 =	sadd.s32 $0x1, s17  }
0x368: {  	p0 =	sne.s32 s17, s8  }
.Ltmp2:
0x369: {  	_ = 	snop;
	(pc) =	sbr.rel @p0 .LBB2_1-.Ltmp2, $1  }
0x36a: {  	_ =	sdelay $0x3  }
0x36b: {  	_ =	sfence.sel $0x180000  }
0x36c: {  	[bflag:$0x0] =	sbarrier.arrive $0xFFFF  }
0x36d: {  	p0 =	sne.s32 s4, $0x0;
	_ =	strace $0x90000047  }
0x36e: {  	s0 =	sadd.s32 @!p0 $0x100000, s0;
	[bflag:$0x2] =	sbarrier.arrive $0xFFFF  }
0x36f: {  	[sflag:s0] =	ssyncadd.tile.s32 @!p0 $0x1;
	_ =	shalt  }
.Lfunc_end2:
_tile_overlayer_lowered:
.L_overlay_start_2:
0x370: {  	(tag) =	ssettag $0x2  }
0x371: {  	s0 =	rddreg [dreg:$0x0];
	s2 =	stileid.u32  }
0x372: {  	s1 =	rddreg [dreg:$0x1];
	p0 =	sne.s32 s2, $0x0  }
0x373: {  	s3 =	rddreg [dreg:$0x2];
	[bflag:$0x3] =	sbarrier.arrive $0xFFFF;
	s2 =	simm.s32 @!p0 $0x1C03  }
0x374: {  	[timem:s3], [sflag:s2] =	dma.local @!p0 [hbm:s0], s1  }
0x375: {  	s0 =	simm.s32 @!p0 $0x3  }
0x376: {  	_ =	swait.ge @!p0 [sflag:s0], s1  }
0x377: {  	s1 =	ssub.s32 @!p0 $0x0, s1;
	[sflag:s0] =	ssyncset.done @!p0 $0x0  }
0x378: {  	[sflag:s0] =	ssyncadd.s32 @!p0 s1  }
0x379: {  	[bflag:$0x3] =	sbarrier.arrive $0xFFFF  }
0x37a: {  	_ =	shalt  }

</sc_bundles>
